<compile_context>
chip_gen: v7x
topology: tpu7x:2x2x1
jax: 0.10.2.dev20260603
libtpu: 0.0.44.dev20260713+nightly
codegen_flags: <defaults>
</compile_context>

<pallas_src>
import dataclasses
import functools

import jax
import jax.numpy as jnp
from jax import lax
from jax.experimental import pallas as pl
from jax.experimental.pallas import tpu as pltpu
from jax.experimental.pallas import tpu_sc as plsc

NC = 2
NS = 16
NW = NC * NS
LANES = 16

_N = 10000
_E = 320000
C = 80
EPT = _E // NW
EPT_PAD = 10000
STEPS = EPT_PAD // C
N_PAD = 10000
RPS = N_PAD // NS
TBLK = 2000
NBLK = _N // TBLK


@functools.lru_cache(maxsize=None)
def _build_sc_agg(feat_w: int, with_deg: bool):
  mesh = plsc.VectorSubcoreMesh(core_axis_name="c", subcore_axis_name="s")
  out_type = [jax.ShapeDtypeStruct((NC, N_PAD, feat_w), jnp.float32)]
  scratch = [
      pltpu.VMEM((STEPS, C), jnp.int32),
      pltpu.VMEM((STEPS, C), jnp.int32),
      pltpu.VMEM((C, feat_w), jnp.float32),
      pltpu.VMEM((C, feat_w), jnp.float32),
      pltpu.VMEM_SHARED((N_PAD, feat_w), jnp.float32),
      pltpu.SemaphoreType.DMA,
      pltpu.SemaphoreType.DMA,
  ]
  if with_deg:
    scratch.append(pltpu.VMEM((N_PAD,), jnp.float32))
    out_type.append(jax.ShapeDtypeStruct((NBLK, NW, TBLK), jnp.float32))

  def body(*refs):
    if with_deg:
      (feat_h, src_h, dst_h, out_h, deg_h, srcv, dstv, rows0, rows1, acc,
       gsem0, gsem1, hist) = refs
    else:
      (feat_h, src_h, dst_h, out_h, srcv, dstv, rows0, rows1, acc,
       gsem0, gsem1) = refs
      deg_h = hist = None

    cid = lax.axis_index("c")
    sid = lax.axis_index("s")
    wid = sid * NC + cid
    base_r = sid * RPS

    zeros = jnp.zeros((LANES,), jnp.float32)
    onesv = jnp.ones((LANES,), jnp.float32)

    @pl.loop(0, C)
    def _(i):
      @pl.loop(0, feat_w // LANES)
      def _(j):
        rows0[i, pl.ds(j * LANES, LANES)] = zeros

    if with_deg:
      @pl.loop(0, N_PAD // LANES)
      def _(i):
        hist[pl.ds(i * LANES, LANES)] = zeros

    ncop = RPS // C
    rem = RPS % C
    for t in range(ncop):
      pltpu.sync_copy(rows0, acc.at[pl.ds(base_r + t * C, C)])
    if rem:
      pltpu.sync_copy(rows0.at[pl.ds(0, rem)],
                      acc.at[pl.ds(base_r + ncop * C, rem)])

    pltpu.sync_copy(src_h.at[wid], srcv)
    pltpu.sync_copy(dst_h.at[wid], dstv)

    plsc.subcore_barrier()

    def scat(rbuf, g):
      pltpu.sync_copy(rbuf, acc.at[dstv.at[g]], add=True)
      if with_deg:
        @pl.loop(0, C // LANES)
        def _(j):
          idx = dstv[g, pl.ds(j * LANES, LANES)]
          plsc.addupdate_scatter(hist, [idx], onesv)

    pltpu.async_copy(feat_h.at[srcv.at[0]], rows0, gsem0)

    @pl.loop(0, (STEPS - 1) // 2)
    def _(k):
      g = 2 * k
      pltpu.async_copy(feat_h.at[srcv.at[g + 1]], rows1, gsem1)
      pltpu.make_async_copy(feat_h.at[srcv.at[g]], rows0, gsem0).wait()
      scat(rows0, g)
      pltpu.async_copy(feat_h.at[srcv.at[g + 2]], rows0, gsem0)
      pltpu.make_async_copy(feat_h.at[srcv.at[g + 1]], rows1, gsem1).wait()
      scat(rows1, g + 1)

    pltpu.make_async_copy(feat_h.at[srcv.at[STEPS - 1]], rows0, gsem0).wait()
    scat(rows0, STEPS - 1)

    plsc.subcore_barrier()

    pltpu.sync_copy(acc.at[pl.ds(base_r, RPS)],
                    out_h.at[cid, pl.ds(base_r, RPS)])
    if with_deg:
      for b in range(NBLK):
        pltpu.sync_copy(hist.at[pl.ds(b * TBLK, TBLK)], deg_h.at[b, wid])

  cp = pltpu.CompilerParams(use_tc_tiling_on_sc=False)
  if with_deg and "needs_layout_passes" in pltpu.CompilerParams.__dataclass_fields__:
    cp = dataclasses.replace(cp, needs_layout_passes=False)
  return pl.kernel(
      body, out_type=out_type, mesh=mesh, scratch_types=scratch,
      compiler_params=cp)


def _tc_layer1(x, pf, pd, w_self1, w_neigh1, b1, w_self2, w_neigh2):
  n, d_in = x.shape
  d_hid = w_self1.shape[1]
  d_out = w_self2.shape[1]
  blk = 2000

  def body(x_r, pf_r, pd_r, ws1_r, wn1_r, b1_r, ws2_r, wn2_r, p2_r, s2_r):
    agg = pf_r[0] + pf_r[1]
    deg = jnp.sum(pd_r[0], axis=0)[:, None]
    hn = agg / jnp.maximum(deg, 1.0)
    h = (jnp.dot(x_r[...], ws1_r[...], preferred_element_type=jnp.float32)
         + jnp.dot(hn, wn1_r[...], preferred_element_type=jnp.float32)
         + b1_r[...])
    h = jnp.maximum(h, 0.0)
    p2_r[...] = jnp.dot(h, wn2_r[...], preferred_element_type=jnp.float32)
    s2_r[...] = jnp.dot(h, ws2_r[...], preferred_element_type=jnp.float32)

  return pl.pallas_call(
      body,
      grid=(n // blk,),
      in_specs=[
          pl.BlockSpec((blk, d_in), lambda i: (i, 0)),
          pl.BlockSpec((NC, blk, d_in), lambda i: (0, i, 0)),
          pl.BlockSpec((1, NW, blk), lambda i: (i, 0, 0)),
          pl.BlockSpec((d_in, d_hid), lambda i: (0, 0)),
          pl.BlockSpec((d_in, d_hid), lambda i: (0, 0)),
          pl.BlockSpec((1, d_hid), lambda i: (0, 0)),
          pl.BlockSpec((d_hid, d_out), lambda i: (0, 0)),
          pl.BlockSpec((d_hid, d_out), lambda i: (0, 0)),
      ],
      out_specs=[
          pl.BlockSpec((blk, d_out), lambda i: (i, 0)),
          pl.BlockSpec((blk, d_out), lambda i: (i, 0)),
      ],
      out_shape=[
          jax.ShapeDtypeStruct((n, d_out), jnp.float32),
          jax.ShapeDtypeStruct((n, d_out), jnp.float32),
      ],
  )(x, pf, pd, w_self1, w_neigh1, b1.reshape(1, -1), w_self2, w_neigh2)


def _tc_layer2(s2, pf2, pd, b2):
  n, d_out = s2.shape
  blk = 2000

  def body(s2_r, pf2_r, pd_r, b2_r, o_r):
    agg = pf2_r[0] + pf2_r[1]
    deg = jnp.sum(pd_r[0], axis=0)[:, None]
    o_r[...] = s2_r[...] + agg / jnp.maximum(deg, 1.0) + b2_r[...]

  return pl.pallas_call(
      body,
      grid=(n // blk,),
      in_specs=[
          pl.BlockSpec((blk, d_out), lambda i: (i, 0)),
          pl.BlockSpec((NC, blk, d_out), lambda i: (0, i, 0)),
          pl.BlockSpec((1, NW, blk), lambda i: (i, 0, 0)),
          pl.BlockSpec((1, d_out), lambda i: (0, 0)),
      ],
      out_specs=pl.BlockSpec((blk, d_out), lambda i: (i, 0)),
      out_shape=jax.ShapeDtypeStruct((n, d_out), jnp.float32),
  )(s2, pf2, pd, b2.reshape(1, -1))


def kernel(x, edge_index, W_self1, W_neigh1, b1, W_self2, W_neigh2, b2):
  npad = EPT_PAD - EPT
  if npad:
    src = jnp.concatenate(
        [edge_index[0].reshape(NW, EPT),
         jnp.zeros((NW, npad), jnp.int32)], axis=1).reshape(NW, STEPS, C)
    dst = jnp.concatenate(
        [edge_index[1].reshape(NW, EPT),
         jnp.broadcast_to(_N + jnp.arange(npad, dtype=jnp.int32),
                          (NW, npad))], axis=1).reshape(NW, STEPS, C)
  else:
    src = edge_index[0].reshape(NW, STEPS, C)
    dst = edge_index[1].reshape(NW, STEPS, C)

  pf1, pd = _build_sc_agg(x.shape[1], True)(x, src, dst)
  p2, s2 = _tc_layer1(x, pf1, pd, W_self1, W_neigh1, b1, W_self2, W_neigh2)
  (pf2,) = _build_sc_agg(p2.shape[1], False)(p2, src, dst)
  return _tc_layer2(s2, pf2, pd, b2)

# --- scband reference (transcript-rebuilt; emitter-appended) ---
"""Pipeline reference for scband-sage-40913858462098 (READ-ONLY COPY).

The authoritative reference and input builder live on the scoring server;
editing this copy changes nothing except your own understanding.
"""

import jax, jax.numpy as jnp
import numpy as np

N = 10000
E = 320000
D_IN = 128
D_HID = 128
D_OUT = 64


def setup_inputs(seed: int = 0) -> dict:
    key = jax.random.key(seed)
    ks = jax.random.split(key, 8)
    x = jax.random.normal(ks[0], (N, D_IN), dtype=jnp.float32)
    edge_index = jax.random.randint(ks[1], (2, E), 0, N, dtype=jnp.int32)
    # Learned params for two dgl SAGEConv('mean') layers:
    # rst = fc_self(h_dst) + fc_neigh(mean_{u in in-neigh(v)} h_u) + bias
    W_self1 = jax.random.normal(ks[2], (D_IN, D_HID), dtype=jnp.float32) / np.sqrt(D_IN)
    W_neigh1 = jax.random.normal(ks[3], (D_IN, D_HID), dtype=jnp.float32) / np.sqrt(D_IN)
    b1 = jnp.zeros((D_HID,), dtype=jnp.float32)
    W_self2 = jax.random.normal(ks[4], (D_HID, D_OUT), dtype=jnp.float32) / np.sqrt(D_HID)
    W_neigh2 = jax.random.normal(ks[5], (D_HID, D_OUT), dtype=jnp.float32) / np.sqrt(D_HID)
    b2 = jnp.zeros((D_OUT,), dtype=jnp.float32)
    return {"x": x, "edge_index": edge_index,
            "W_self1": W_self1, "W_neigh1": W_neigh1, "b1": b1,
            "W_self2": W_self2, "W_neigh2": W_neigh2, "b2": b2}


def _sage_conv(h, edge_index, W_self, W_neigh, b):
    src = edge_index[0]
    dst = edge_index[1]
    msg = jnp.take(h, src, axis=0)                      # gather src features
    agg = jax.ops.segment_sum(msg, dst, num_segments=N)  # scatter-add by dst
    deg = jax.ops.segment_sum(jnp.ones((E,), dtype=h.dtype), dst, num_segments=N)
    h_neigh = agg / jnp.maximum(deg, 1.0)[:, None]       # mean aggregator
    return h @ W_self + h_neigh @ W_neigh + b


def reference(x, edge_index, W_self1, W_neigh1, b1, W_self2, W_neigh2, b2):
    # Layer 1 + ReLU (dropout is identity at inference)
    h = _sage_conv(x, edge_index, W_self1, W_neigh1, b1)
    h = jax.nn.relu(h)
    # Layer 2 (no activation)
    h = _sage_conv(h, edge_index, W_self2, W_neigh2, b2)
    return h

if __name__ == "__main__":
    import jax
    _d = setup_inputs()
    print(jax.jit(kernel)(*tuple(_d.values())))

</pallas_src>

<mosaic_0001>
#map = affine_map<(d0, d1) -> (0, 0)>
#map1 = affine_map<(d0, d1) -> (0, 0, 0)>
module attributes {stable_mosaic.version = 14 : i64} {
  func.func @body(%arg0: i32, %arg1: i32, %arg2: memref<10000x128xf32, #tpu.memory_space<hbm>>, %arg3: memref<32x125x80xi32, #tpu.memory_space<hbm>>, %arg4: memref<32x125x80xi32, #tpu.memory_space<hbm>>, %arg5: memref<2x10000x128xf32, #tpu.memory_space<hbm>>, %arg6: memref<5x32x2000xf32, #tpu.memory_space<hbm>>, %arg7: memref<125x80xi32, #tpu.memory_space<vmem>>, %arg8: memref<125x80xi32, #tpu.memory_space<vmem>>, %arg9: memref<80x128xf32, #tpu.memory_space<vmem>>, %arg10: memref<80x128xf32, #tpu.memory_space<vmem>>, %arg11: memref<10000x128xf32, #tpu.memory_space<vmem_shared>>, %arg12: memref<!tpu.dma_semaphore, #tpu.memory_space<semaphore_mem>>, %arg13: memref<!tpu.dma_semaphore, #tpu.memory_space<semaphore_mem>>, %arg14: memref<10000xf32, #tpu.memory_space<vmem>>) attributes {dimension_semantics = [#tpu.dimension_semantics<core_parallel>, #tpu.dimension_semantics<subcore_parallel>], iteration_bounds = array<i64: 2, 16>, scalar_prefetch = 0 : i64, scratch_operands = 8 : i64, tpu.core_type = #tpu.core_type<sc_vector_subcore>, window_params = [{transform_indices = #map}, {transform_indices = #map1}, {transform_indices = #map1}, {transform_indices = #map1}, {transform_indices = #map1}]} {
    %mul3A = arith.constant 2 : i32
    %mul3A_0 = arith.muli %arg1, %mul3A : i32
    %add3A = arith.addi %mul3A_0, %arg0 : i32
    %mul3A_1 = arith.constant 625 : i32
    %mul3A_2 = arith.muli %arg1, %mul3A_1 : i32
    %broadcast_in_dim3A = arith.constant 0.000000e+00 : f32
    %broadcast_in_dim3A_3 = vector.broadcast %broadcast_in_dim3A : f32 to vector<16xf32>
    %broadcast_in_dim3A_4 = arith.constant 1.000000e+00 : f32
    %broadcast_in_dim3A_5 = vector.broadcast %broadcast_in_dim3A_4 : f32 to vector<16xf32>
    %scan3A = arith.constant 0 : i32
    %scan3A_6 = arith.constant 80 : i32
    %scan3A_7 = arith.addi %scan3A, %scan3A_6 : i32
    %scan3A_8 = arith.constant 1 : i32
    scf.for %scan3A_59 = %scan3A to %scan3A_7 step %scan3A_8  : i32 {
      %mul3A_60 = arith.constant 1 : i32
      %mul3A_61 = arith.muli %scan3A_59, %mul3A_60 : i32
      %add3A_62 = arith.constant 0 : i32
      %add3A_63 = arith.addi %add3A_62, %mul3A_61 : i32
      %scan3A_64 = arith.constant 0 : i32
      %scan3A_65 = arith.constant 8 : i32
      %scan3A_66 = arith.addi %scan3A_64, %scan3A_65 : i32
      %scan3A_67 = arith.constant 1 : i32
      scf.for %scan3A_69 = %scan3A_64 to %scan3A_66 step %scan3A_67  : i32 {
        %mul3A_70 = arith.constant 1 : i32
        %mul3A_71 = arith.muli %scan3A_69, %mul3A_70 : i32
        %add3A_72 = arith.constant 0 : i32
        %add3A_73 = arith.addi %add3A_72, %mul3A_71 : i32
        %mul3A_74 = arith.constant 16 : i32
        %mul3A_75 = arith.muli %add3A_73, %mul3A_74 : i32
        %swap3A = arith.index_cast %add3A_63 : i32 to index
        %swap3A_76 = arith.index_cast %mul3A_75 : i32 to index
        %swap3A_77 = tpu.vector_load %arg9[%swap3A, %swap3A_76] {strides = array<i32>} : memref<80x128xf32, #tpu.memory_space<vmem>>, vector<16xf32>,
        tpu.vector_store %arg9[%swap3A, %swap3A_76], %broadcast_in_dim3A_3 {strides = array<i32>} : memref<80x128xf32, #tpu.memory_space<vmem>>, vector<16xf32>,
      }
      %scan3A_68 = arith.constant 8 : i32
    }
    %scan3A_9 = arith.constant 80 : i32
    %scan3A_10 = arith.constant 0 : i32
    %scan3A_11 = arith.constant 625 : i32
    %scan3A_12 = arith.addi %scan3A_10, %scan3A_11 : i32
    %scan3A_13 = arith.constant 1 : i32
    scf.for %scan3A_59 = %scan3A_10 to %scan3A_12 step %scan3A_13  : i32 {
      %mul3A_60 = arith.constant 1 : i32
      %mul3A_61 = arith.muli %scan3A_59, %mul3A_60 : i32
      %add3A_62 = arith.constant 0 : i32
      %add3A_63 = arith.addi %add3A_62, %mul3A_61 : i32
      %mul3A_64 = arith.constant 16 : i32
      %mul3A_65 = arith.muli %add3A_63, %mul3A_64 : i32
      %swap3A = arith.index_cast %mul3A_65 : i32 to index
      %swap3A_66 = tpu.vector_load %arg14[%swap3A] {strides = array<i32>} : memref<10000xf32, #tpu.memory_space<vmem>>, vector<16xf32>,
      tpu.vector_store %arg14[%swap3A], %broadcast_in_dim3A_3 {strides = array<i32>} : memref<10000xf32, #tpu.memory_space<vmem>>, vector<16xf32>,
    }
    %scan3A_14 = arith.constant 625 : i32
    %add3A_15 = arith.constant 0 : i32
    %add3A_16 = arith.addi %mul3A_2, %add3A_15 : i32
    "tpu.region"() ({
      %run_scoped3A_59 = tpu.sem_alloc : memref<!tpu.dma_semaphore, #tpu.memory_space<semaphore_mem>>
      %dma_start3A_60 = arith.constant 0 : i32
      %dma_start3A_61 = tpu.memref_slice %arg11[%add3A_16, %dma_start3A_60] : memref<10000x128xf32, #tpu.memory_space<vmem_shared>> -> memref<80x128xf32, #tpu.memory_space<vmem_shared>>
      %dma_start3A_62 = arith.constant 0 : i32
      %dma_start3A_63 = tpu.memref_slice %arg11[%add3A_16, %dma_start3A_62] : memref<10000x128xf32, #tpu.memory_space<vmem_shared>> -> memref<80x128xf32, #tpu.memory_space<vmem_shared>>
      tpu.enqueue_dma source(%arg9 : memref<80x128xf32, #tpu.memory_space<vmem>>) target(%dma_start3A_63 : memref<80x128xf32, #tpu.memory_space<vmem_shared>>) target_semaphore(%run_scoped3A_59 : memref<!tpu.dma_semaphore, #tpu.memory_space<semaphore_mem>>)
      %dma_wait3A_64 = arith.constant 0 : i32
      %dma_wait3A_65 = tpu.memref_slice %arg11[%add3A_16, %dma_wait3A_64] : memref<10000x128xf32, #tpu.memory_space<vmem_shared>> -> memref<80x128xf32, #tpu.memory_space<vmem_shared>>
      %dma_wait3A_66 = arith.constant 0 : i32
      %dma_wait3A_67 = tpu.memref_slice %arg11[%add3A_16, %dma_wait3A_66] : memref<10000x128xf32, #tpu.memory_space<vmem_shared>> -> memref<80x128xf32, #tpu.memory_space<vmem_shared>>
      tpu.wait_dma2 semaphore(%run_scoped3A_59 : memref<!tpu.dma_semaphore, #tpu.memory_space<semaphore_mem>>) src(%arg9 : memref<80x128xf32, #tpu.memory_space<vmem>>) dst(%dma_wait3A_67 : memref<80x128xf32, #tpu.memory_space<vmem_shared>>)
      tpu.yield
    }) : () -> ()
    %add3A_17 = arith.constant 80 : i32
    %add3A_18 = arith.addi %mul3A_2, %add3A_17 : i32
    "tpu.region"() ({
      %run_scoped3A_59 = tpu.sem_alloc : memref<!tpu.dma_semaphore, #tpu.memory_space<semaphore_mem>>
      %dma_start3A_60 = arith.constant 0 : i32
      %dma_start3A_61 = tpu.memref_slice %arg11[%add3A_18, %dma_start3A_60] : memref<10000x128xf32, #tpu.memory_space<vmem_shared>> -> memref<80x128xf32, #tpu.memory_space<vmem_shared>>
      %dma_start3A_62 = arith.constant 0 : i32
      %dma_start3A_63 = tpu.memref_slice %arg11[%add3A_18, %dma_start3A_62] : memref<10000x128xf32, #tpu.memory_space<vmem_shared>> -> memref<80x128xf32, #tpu.memory_space<vmem_shared>>
      tpu.enqueue_dma source(%arg9 : memref<80x128xf32, #tpu.memory_space<vmem>>) target(%dma_start3A_63 : memref<80x128xf32, #tpu.memory_space<vmem_shared>>) target_semaphore(%run_scoped3A_59 : memref<!tpu.dma_semaphore, #tpu.memory_space<semaphore_mem>>)
      %dma_wait3A_64 = arith.constant 0 : i32
      %dma_wait3A_65 = tpu.memref_slice %arg11[%add3A_18, %dma_wait3A_64] : memref<10000x128xf32, #tpu.memory_space<vmem_shared>> -> memref<80x128xf32, #tpu.memory_space<vmem_shared>>
      %dma_wait3A_66 = arith.constant 0 : i32
      %dma_wait3A_67 = tpu.memref_slice %arg11[%add3A_18, %dma_wait3A_66] : memref<10000x128xf32, #tpu.memory_space<vmem_shared>> -> memref<80x128xf32, #tpu.memory_space<vmem_shared>>
      tpu.wait_dma2 semaphore(%run_scoped3A_59 : memref<!tpu.dma_semaphore, #tpu.memory_space<semaphore_mem>>) src(%arg9 : memref<80x128xf32, #tpu.memory_space<vmem>>) dst(%dma_wait3A_67 : memref<80x128xf32, #tpu.memory_space<vmem_shared>>)
      tpu.yield
    }) : () -> ()
    %add3A_19 = arith.constant 160 : i32
    %add3A_20 = arith.addi %mul3A_2, %add3A_19 : i32
    "tpu.region"() ({
      %run_scoped3A_59 = tpu.sem_alloc : memref<!tpu.dma_semaphore, #tpu.memory_space<semaphore_mem>>
      %dma_start3A_60 = arith.constant 0 : i32
      %dma_start3A_61 = tpu.memref_slice %arg11[%add3A_20, %dma_start3A_60] : memref<10000x128xf32, #tpu.memory_space<vmem_shared>> -> memref<80x128xf32, #tpu.memory_space<vmem_shared>>
      %dma_start3A_62 = arith.constant 0 : i32
      %dma_start3A_63 = tpu.memref_slice %arg11[%add3A_20, %dma_start3A_62] : memref<10000x128xf32, #tpu.memory_space<vmem_shared>> -> memref<80x128xf32, #tpu.memory_space<vmem_shared>>
      tpu.enqueue_dma source(%arg9 : memref<80x128xf32, #tpu.memory_space<vmem>>) target(%dma_start3A_63 : memref<80x128xf32, #tpu.memory_space<vmem_shared>>) target_semaphore(%run_scoped3A_59 : memref<!tpu.dma_semaphore, #tpu.memory_space<semaphore_mem>>)
      %dma_wait3A_64 = arith.constant 0 : i32
      %dma_wait3A_65 = tpu.memref_slice %arg11[%add3A_20, %dma_wait3A_64] : memref<10000x128xf32, #tpu.memory_space<vmem_shared>> -> memref<80x128xf32, #tpu.memory_space<vmem_shared>>
      %dma_wait3A_66 = arith.constant 0 : i32
      %dma_wait3A_67 = tpu.memref_slice %arg11[%add3A_20, %dma_wait3A_66] : memref<10000x128xf32, #tpu.memory_space<vmem_shared>> -> memref<80x128xf32, #tpu.memory_space<vmem_shared>>
      tpu.wait_dma2 semaphore(%run_scoped3A_59 : memref<!tpu.dma_semaphore, #tpu.memory_space<semaphore_mem>>) src(%arg9 : memref<80x128xf32, #tpu.memory_space<vmem>>) dst(%dma_wait3A_67 : memref<80x128xf32, #tpu.memory_space<vmem_shared>>)
      tpu.yield
    }) : () -> ()
    %add3A_21 = arith.constant 240 : i32
    %add3A_22 = arith.addi %mul3A_2, %add3A_21 : i32
    "tpu.region"() ({
      %run_scoped3A_59 = tpu.sem_alloc : memref<!tpu.dma_semaphore, #tpu.memory_space<semaphore_mem>>
      %dma_start3A_60 = arith.constant 0 : i32
      %dma_start3A_61 = tpu.memref_slice %arg11[%add3A_22, %dma_start3A_60] : memref<10000x128xf32, #tpu.memory_space<vmem_shared>> -> memref<80x128xf32, #tpu.memory_space<vmem_shared>>
      %dma_start3A_62 = arith.constant 0 : i32
      %dma_start3A_63 = tpu.memref_slice %arg11[%add3A_22, %dma_start3A_62] : memref<10000x128xf32, #tpu.memory_space<vmem_shared>> -> memref<80x128xf32, #tpu.memory_space<vmem_shared>>
      tpu.enqueue_dma source(%arg9 : memref<80x128xf32, #tpu.memory_space<vmem>>) target(%dma_start3A_63 : memref<80x128xf32, #tpu.memory_space<vmem_shared>>) target_semaphore(%run_scoped3A_59 : memref<!tpu.dma_semaphore, #tpu.memory_space<semaphore_mem>>)
      %dma_wait3A_64 = arith.constant 0 : i32
      %dma_wait3A_65 = tpu.memref_slice %arg11[%add3A_22, %dma_wait3A_64] : memref<10000x128xf32, #tpu.memory_space<vmem_shared>> -> memref<80x128xf32, #tpu.memory_space<vmem_shared>>
      %dma_wait3A_66 = arith.constant 0 : i32
      %dma_wait3A_67 = tpu.memref_slice %arg11[%add3A_22, %dma_wait3A_66] : memref<10000x128xf32, #tpu.memory_space<vmem_shared>> -> memref<80x128xf32, #tpu.memory_space<vmem_shared>>
      tpu.wait_dma2 semaphore(%run_scoped3A_59 : memref<!tpu.dma_semaphore, #tpu.memory_space<semaphore_mem>>) src(%arg9 : memref<80x128xf32, #tpu.memory_space<vmem>>) dst(%dma_wait3A_67 : memref<80x128xf32, #tpu.memory_space<vmem_shared>>)
      tpu.yield
    }) : () -> ()
    %add3A_23 = arith.constant 320 : i32
    %add3A_24 = arith.addi %mul3A_2, %add3A_23 : i32
    "tpu.region"() ({
      %run_scoped3A_59 = tpu.sem_alloc : memref<!tpu.dma_semaphore, #tpu.memory_space<semaphore_mem>>
      %dma_start3A_60 = arith.constant 0 : i32
      %dma_start3A_61 = tpu.memref_slice %arg11[%add3A_24, %dma_start3A_60] : memref<10000x128xf32, #tpu.memory_space<vmem_shared>> -> memref<80x128xf32, #tpu.memory_space<vmem_shared>>
      %dma_start3A_62 = arith.constant 0 : i32
      %dma_start3A_63 = tpu.memref_slice %arg11[%add3A_24, %dma_start3A_62] : memref<10000x128xf32, #tpu.memory_space<vmem_shared>> -> memref<80x128xf32, #tpu.memory_space<vmem_shared>>
      tpu.enqueue_dma source(%arg9 : memref<80x128xf32, #tpu.memory_space<vmem>>) target(%dma_start3A_63 : memref<80x128xf32, #tpu.memory_space<vmem_shared>>) target_semaphore(%run_scoped3A_59 : memref<!tpu.dma_semaphore, #tpu.memory_space<semaphore_mem>>)
      %dma_wait3A_64 = arith.constant 0 : i32
      %dma_wait3A_65 = tpu.memref_slice %arg11[%add3A_24, %dma_wait3A_64] : memref<10000x128xf32, #tpu.memory_space<vmem_shared>> -> memref<80x128xf32, #tpu.memory_space<vmem_shared>>
      %dma_wait3A_66 = arith.constant 0 : i32
      %dma_wait3A_67 = tpu.memref_slice %arg11[%add3A_24, %dma_wait3A_66] : memref<10000x128xf32, #tpu.memory_space<vmem_shared>> -> memref<80x128xf32, #tpu.memory_space<vmem_shared>>
      tpu.wait_dma2 semaphore(%run_scoped3A_59 : memref<!tpu.dma_semaphore, #tpu.memory_space<semaphore_mem>>) src(%arg9 : memref<80x128xf32, #tpu.memory_space<vmem>>) dst(%dma_wait3A_67 : memref<80x128xf32, #tpu.memory_space<vmem_shared>>)
      tpu.yield
    }) : () -> ()
    %add3A_25 = arith.constant 400 : i32
    %add3A_26 = arith.addi %mul3A_2, %add3A_25 : i32
    "tpu.region"() ({
      %run_scoped3A_59 = tpu.sem_alloc : memref<!tpu.dma_semaphore, #tpu.memory_space<semaphore_mem>>
      %dma_start3A_60 = arith.constant 0 : i32
      %dma_start3A_61 = tpu.memref_slice %arg11[%add3A_26, %dma_start3A_60] : memref<10000x128xf32, #tpu.memory_space<vmem_shared>> -> memref<80x128xf32, #tpu.memory_space<vmem_shared>>
      %dma_start3A_62 = arith.constant 0 : i32
      %dma_start3A_63 = tpu.memref_slice %arg11[%add3A_26, %dma_start3A_62] : memref<10000x128xf32, #tpu.memory_space<vmem_shared>> -> memref<80x128xf32, #tpu.memory_space<vmem_shared>>
      tpu.enqueue_dma source(%arg9 : memref<80x128xf32, #tpu.memory_space<vmem>>) target(%dma_start3A_63 : memref<80x128xf32, #tpu.memory_space<vmem_shared>>) target_semaphore(%run_scoped3A_59 : memref<!tpu.dma_semaphore, #tpu.memory_space<semaphore_mem>>)
      %dma_wait3A_64 = arith.constant 0 : i32
      %dma_wait3A_65 = tpu.memref_slice %arg11[%add3A_26, %dma_wait3A_64] : memref<10000x128xf32, #tpu.memory_space<vmem_shared>> -> memref<80x128xf32, #tpu.memory_space<vmem_shared>>
      %dma_wait3A_66 = arith.constant 0 : i32
      %dma_wait3A_67 = tpu.memref_slice %arg11[%add3A_26, %dma_wait3A_66] : memref<10000x128xf32, #tpu.memory_space<vmem_shared>> -> memref<80x128xf32, #tpu.memory_space<vmem_shared>>
      tpu.wait_dma2 semaphore(%run_scoped3A_59 : memref<!tpu.dma_semaphore, #tpu.memory_space<semaphore_mem>>) src(%arg9 : memref<80x128xf32, #tpu.memory_space<vmem>>) dst(%dma_wait3A_67 : memref<80x128xf32, #tpu.memory_space<vmem_shared>>)
      tpu.yield
    }) : () -> ()
    %add3A_27 = arith.constant 480 : i32
    %add3A_28 = arith.addi %mul3A_2, %add3A_27 : i32
    "tpu.region"() ({
      %run_scoped3A_59 = tpu.sem_alloc : memref<!tpu.dma_semaphore, #tpu.memory_space<semaphore_mem>>
      %dma_start3A_60 = arith.constant 0 : i32
      %dma_start3A_61 = tpu.memref_slice %arg11[%add3A_28, %dma_start3A_60] : memref<10000x128xf32, #tpu.memory_space<vmem_shared>> -> memref<80x128xf32, #tpu.memory_space<vmem_shared>>
      %dma_start3A_62 = arith.constant 0 : i32
      %dma_start3A_63 = tpu.memref_slice %arg11[%add3A_28, %dma_start3A_62] : memref<10000x128xf32, #tpu.memory_space<vmem_shared>> -> memref<80x128xf32, #tpu.memory_space<vmem_shared>>
      tpu.enqueue_dma source(%arg9 : memref<80x128xf32, #tpu.memory_space<vmem>>) target(%dma_start3A_63 : memref<80x128xf32, #tpu.memory_space<vmem_shared>>) target_semaphore(%run_scoped3A_59 : memref<!tpu.dma_semaphore, #tpu.memory_space<semaphore_mem>>)
      %dma_wait3A_64 = arith.constant 0 : i32
      %dma_wait3A_65 = tpu.memref_slice %arg11[%add3A_28, %dma_wait3A_64] : memref<10000x128xf32, #tpu.memory_space<vmem_shared>> -> memref<80x128xf32, #tpu.memory_space<vmem_shared>>
      %dma_wait3A_66 = arith.constant 0 : i32
      %dma_wait3A_67 = tpu.memref_slice %arg11[%add3A_28, %dma_wait3A_66] : memref<10000x128xf32, #tpu.memory_space<vmem_shared>> -> memref<80x128xf32, #tpu.memory_space<vmem_shared>>
      tpu.wait_dma2 semaphore(%run_scoped3A_59 : memref<!tpu.dma_semaphore, #tpu.memory_space<semaphore_mem>>) src(%arg9 : memref<80x128xf32, #tpu.memory_space<vmem>>) dst(%dma_wait3A_67 : memref<80x128xf32, #tpu.memory_space<vmem_shared>>)
      tpu.yield
    }) : () -> ()
    %add3A_29 = arith.constant 560 : i32
    %add3A_30 = arith.addi %mul3A_2, %add3A_29 : i32
    "tpu.region"() ({
      %run_scoped3A_59 = tpu.sem_alloc : memref<!tpu.dma_semaphore, #tpu.memory_space<semaphore_mem>>
      %dma_start3A_60 = arith.constant 0 : i32
      %dma_start3A_61 = arith.constant 0 : i32
      %dma_start3A_62 = tpu.memref_slice %arg9[%dma_start3A_60, %dma_start3A_61] : memref<80x128xf32, #tpu.memory_space<vmem>> -> memref<65x128xf32, #tpu.memory_space<vmem>>
      %dma_start3A_63 = arith.constant 0 : i32
      %dma_start3A_64 = tpu.memref_slice %arg11[%add3A_30, %dma_start3A_63] : memref<10000x128xf32, #tpu.memory_space<vmem_shared>> -> memref<65x128xf32, #tpu.memory_space<vmem_shared>>
      %dma_start3A_65 = arith.constant 0 : i32
      %dma_start3A_66 = tpu.memref_slice %arg11[%add3A_30, %dma_start3A_65] : memref<10000x128xf32, #tpu.memory_space<vmem_shared>> -> memref<65x128xf32, #tpu.memory_space<vmem_shared>>
      %dma_start3A_67 = arith.constant 0 : i32
      %dma_start3A_68 = arith.constant 0 : i32
      %dma_start3A_69 = tpu.memref_slice %arg9[%dma_start3A_67, %dma_start3A_68] : memref<80x128xf32, #tpu.memory_space<vmem>> -> memref<65x128xf32, #tpu.memory_space<vmem>>
      tpu.enqueue_dma source(%dma_start3A_69 : memref<65x128xf32, #tpu.memory_space<vmem>>) target(%dma_start3A_66 : memref<65x128xf32, #tpu.memory_space<vmem_shared>>) target_semaphore(%run_scoped3A_59 : memref<!tpu.dma_semaphore, #tpu.memory_space<semaphore_mem>>)
      %dma_wait3A_70 = arith.constant 0 : i32
      %dma_wait3A_71 = arith.constant 0 : i32
      %dma_wait3A_72 = tpu.memref_slice %arg9[%dma_wait3A_70, %dma_wait3A_71] : memref<80x128xf32, #tpu.memory_space<vmem>> -> memref<65x128xf32, #tpu.memory_space<vmem>>
      %dma_wait3A_73 = arith.constant 0 : i32
      %dma_wait3A_74 = tpu.memref_slice %arg11[%add3A_30, %dma_wait3A_73] : memref<10000x128xf32, #tpu.memory_space<vmem_shared>> -> memref<65x128xf32, #tpu.memory_space<vmem_shared>>
      %dma_wait3A_75 = arith.constant 0 : i32
      %dma_wait3A_76 = tpu.memref_slice %arg11[%add3A_30, %dma_wait3A_75] : memref<10000x128xf32, #tpu.memory_space<vmem_shared>> -> memref<65x128xf32, #tpu.memory_space<vmem_shared>>
      %dma_wait3A_77 = arith.constant 0 : i32
      %dma_wait3A_78 = arith.constant 0 : i32
      %dma_wait3A_79 = tpu.memref_slice %arg9[%dma_wait3A_77, %dma_wait3A_78] : memref<80x128xf32, #tpu.memory_space<vmem>> -> memref<65x128xf32, #tpu.memory_space<vmem>>
      tpu.wait_dma2 semaphore(%run_scoped3A_59 : memref<!tpu.dma_semaphore, #tpu.memory_space<semaphore_mem>>) src(%dma_wait3A_79 : memref<65x128xf32, #tpu.memory_space<vmem>>) dst(%dma_wait3A_76 : memref<65x128xf32, #tpu.memory_space<vmem_shared>>)
      tpu.yield
    }) : () -> ()
    "tpu.region"() ({
      %run_scoped3A_59 = tpu.sem_alloc : memref<!tpu.dma_semaphore, #tpu.memory_space<semaphore_mem>>
      %dma_start3A_60 = arith.constant 0 : i32
      %dma_start3A_61 = arith.constant 0 : i32
      %dma_start3A_62 = tpu.memref_slice %arg3[%add3A, %dma_start3A_60, %dma_start3A_61] : memref<32x125x80xi32, #tpu.memory_space<hbm>> -> memref<1x125x80xi32, #tpu.memory_space<hbm>>
      %dma_start3A_63 = tpu.memref_squeeze %dma_start3A_62 : memref<1x125x80xi32, #tpu.memory_space<hbm>> -> memref<125x80xi32, #tpu.memory_space<hbm>>
      %dma_start3A_64 = arith.constant 0 : i32
      %dma_start3A_65 = arith.constant 0 : i32
      %dma_start3A_66 = tpu.memref_slice %arg3[%add3A, %dma_start3A_64, %dma_start3A_65] : memref<32x125x80xi32, #tpu.memory_space<hbm>> -> memref<1x125x80xi32, #tpu.memory_space<hbm>>
      %dma_start3A_67 = tpu.memref_squeeze %dma_start3A_66 : memref<1x125x80xi32, #tpu.memory_space<hbm>> -> memref<125x80xi32, #tpu.memory_space<hbm>>
      tpu.enqueue_dma source(%dma_start3A_67 : memref<125x80xi32, #tpu.memory_space<hbm>>) target(%arg7 : memref<125x80xi32, #tpu.memory_space<vmem>>) target_semaphore(%run_scoped3A_59 : memref<!tpu.dma_semaphore, #tpu.memory_space<semaphore_mem>>)
      %dma_wait3A_68 = arith.constant 0 : i32
      %dma_wait3A_69 = arith.constant 0 : i32
      %dma_wait3A_70 = tpu.memref_slice %arg3[%add3A, %dma_wait3A_68, %dma_wait3A_69] : memref<32x125x80xi32, #tpu.memory_space<hbm>> -> memref<1x125x80xi32, #tpu.memory_space<hbm>>
      %dma_wait3A_71 = tpu.memref_squeeze %dma_wait3A_70 : memref<1x125x80xi32, #tpu.memory_space<hbm>> -> memref<125x80xi32, #tpu.memory_space<hbm>>
      %dma_wait3A_72 = arith.constant 0 : i32
      %dma_wait3A_73 = arith.constant 0 : i32
      %dma_wait3A_74 = tpu.memref_slice %arg3[%add3A, %dma_wait3A_72, %dma_wait3A_73] : memref<32x125x80xi32, #tpu.memory_space<hbm>> -> memref<1x125x80xi32, #tpu.memory_space<hbm>>
      %dma_wait3A_75 = tpu.memref_squeeze %dma_wait3A_74 : memref<1x125x80xi32, #tpu.memory_space<hbm>> -> memref<125x80xi32, #tpu.memory_space<hbm>>
      tpu.wait_dma2 semaphore(%run_scoped3A_59 : memref<!tpu.dma_semaphore, #tpu.memory_space<semaphore_mem>>) src(%dma_wait3A_75 : memref<125x80xi32, #tpu.memory_space<hbm>>) dst(%arg7 : memref<125x80xi32, #tpu.memory_space<vmem>>)
      tpu.yield
    }) : () -> ()
    "tpu.region"() ({
      %run_scoped3A_59 = tpu.sem_alloc : memref<!tpu.dma_semaphore, #tpu.memory_space<semaphore_mem>>
      %dma_start3A_60 = arith.constant 0 : i32
      %dma_start3A_61 = arith.constant 0 : i32
      %dma_start3A_62 = tpu.memref_slice %arg4[%add3A, %dma_start3A_60, %dma_start3A_61] : memref<32x125x80xi32, #tpu.memory_space<hbm>> -> memref<1x125x80xi32, #tpu.memory_space<hbm>>
      %dma_start3A_63 = tpu.memref_squeeze %dma_start3A_62 : memref<1x125x80xi32, #tpu.memory_space<hbm>> -> memref<125x80xi32, #tpu.memory_space<hbm>>
      %dma_start3A_64 = arith.constant 0 : i32
      %dma_start3A_65 = arith.constant 0 : i32
      %dma_start3A_66 = tpu.memref_slice %arg4[%add3A, %dma_start3A_64, %dma_start3A_65] : memref<32x125x80xi32, #tpu.memory_space<hbm>> -> memref<1x125x80xi32, #tpu.memory_space<hbm>>
      %dma_start3A_67 = tpu.memref_squeeze %dma_start3A_66 : memref<1x125x80xi32, #tpu.memory_space<hbm>> -> memref<125x80xi32, #tpu.memory_space<hbm>>
      tpu.enqueue_dma source(%dma_start3A_67 : memref<125x80xi32, #tpu.memory_space<hbm>>) target(%arg8 : memref<125x80xi32, #tpu.memory_space<vmem>>) target_semaphore(%run_scoped3A_59 : memref<!tpu.dma_semaphore, #tpu.memory_space<semaphore_mem>>)
      %dma_wait3A_68 = arith.constant 0 : i32
      %dma_wait3A_69 = arith.constant 0 : i32
      %dma_wait3A_70 = tpu.memref_slice %arg4[%add3A, %dma_wait3A_68, %dma_wait3A_69] : memref<32x125x80xi32, #tpu.memory_space<hbm>> -> memref<1x125x80xi32, #tpu.memory_space<hbm>>
      %dma_wait3A_71 = tpu.memref_squeeze %dma_wait3A_70 : memref<1x125x80xi32, #tpu.memory_space<hbm>> -> memref<125x80xi32, #tpu.memory_space<hbm>>
      %dma_wait3A_72 = arith.constant 0 : i32
      %dma_wait3A_73 = arith.constant 0 : i32
      %dma_wait3A_74 = tpu.memref_slice %arg4[%add3A, %dma_wait3A_72, %dma_wait3A_73] : memref<32x125x80xi32, #tpu.memory_space<hbm>> -> memref<1x125x80xi32, #tpu.memory_space<hbm>>
      %dma_wait3A_75 = tpu.memref_squeeze %dma_wait3A_74 : memref<1x125x80xi32, #tpu.memory_space<hbm>> -> memref<125x80xi32, #tpu.memory_space<hbm>>
      tpu.wait_dma2 semaphore(%run_scoped3A_59 : memref<!tpu.dma_semaphore, #tpu.memory_space<semaphore_mem>>) src(%dma_wait3A_75 : memref<125x80xi32, #tpu.memory_space<hbm>>) dst(%arg8 : memref<125x80xi32, #tpu.memory_space<vmem>>)
      tpu.yield
    }) : () -> ()
    %barrier3A = arith.constant 0 : index
    tpu.barrier barrier_id(%barrier3A)
    %dma_start3A = arith.constant 0 : i32
    %dma_start3A_31 = arith.constant 0 : i32
    %dma_start3A_32 = tpu.memref_slice %arg7[%dma_start3A, %dma_start3A_31] : memref<125x80xi32, #tpu.memory_space<vmem>> -> memref<1x80xi32, #tpu.memory_space<vmem>>
    %dma_start3A_33 = tpu.memref_squeeze %dma_start3A_32 : memref<1x80xi32, #tpu.memory_space<vmem>> -> memref<80xi32, #tpu.memory_space<vmem>>
    %dma_start3A_34 = arith.constant 0 : i32
    %dma_start3A_35 = arith.constant 0 : i32
    %dma_start3A_36 = tpu.memref_slice %arg2[%dma_start3A_34, %dma_start3A_35] : memref<10000x128xf32, #tpu.memory_space<hbm>> -> memref<10000x128xf32, #tpu.memory_space<hbm>>
    tpu.enqueue_indirect_dma source(%dma_start3A_36 : memref<10000x128xf32, #tpu.memory_space<hbm>>) target(%arg9 : memref<80x128xf32, #tpu.memory_space<vmem>>) offsets(%dma_start3A_33 : memref<80xi32, #tpu.memory_space<vmem>>) semaphore(%arg12 : memref<!tpu.dma_semaphore, #tpu.memory_space<semaphore_mem>>)
    %scan3A_37 = arith.constant 0 : i32
    %scan3A_38 = arith.constant 62 : i32
    %scan3A_39 = arith.addi %scan3A_37, %scan3A_38 : i32
    %scan3A_40 = arith.constant 1 : i32
    scf.for %scan3A_59 = %scan3A_37 to %scan3A_39 step %scan3A_40  : i32 {
      %mul3A_60 = arith.constant 1 : i32
      %mul3A_61 = arith.muli %scan3A_59, %mul3A_60 : i32
      %add3A_62 = arith.constant 0 : i32
      %add3A_63 = arith.addi %add3A_62, %mul3A_61 : i32
      %mul3A_64 = arith.constant 2 : i32
      %mul3A_65 = arith.muli %mul3A_64, %add3A_63 : i32
      %add3A_66 = arith.constant 1 : i32
      %add3A_67 = arith.addi %mul3A_65, %add3A_66 : i32
      %dma_start3A_68 = arith.constant 0 : i32
      %dma_start3A_69 = tpu.memref_slice %arg7[%add3A_67, %dma_start3A_68] : memref<125x80xi32, #tpu.memory_space<vmem>> -> memref<1x80xi32, #tpu.memory_space<vmem>>
      %dma_start3A_70 = tpu.memref_squeeze %dma_start3A_69 : memref<1x80xi32, #tpu.memory_space<vmem>> -> memref<80xi32, #tpu.memory_space<vmem>>
      %dma_start3A_71 = arith.constant 0 : i32
      %dma_start3A_72 = arith.constant 0 : i32
      %dma_start3A_73 = tpu.memref_slice %arg2[%dma_start3A_71, %dma_start3A_72] : memref<10000x128xf32, #tpu.memory_space<hbm>> -> memref<10000x128xf32, #tpu.memory_space<hbm>>
      tpu.enqueue_indirect_dma source(%dma_start3A_73 : memref<10000x128xf32, #tpu.memory_space<hbm>>) target(%arg10 : memref<80x128xf32, #tpu.memory_space<vmem>>) offsets(%dma_start3A_70 : memref<80xi32, #tpu.memory_space<vmem>>) semaphore(%arg13 : memref<!tpu.dma_semaphore, #tpu.memory_space<semaphore_mem>>)
      %dma_wait3A_74 = arith.constant 0 : i32
      %dma_wait3A_75 = tpu.memref_slice %arg7[%mul3A_65, %dma_wait3A_74] : memref<125x80xi32, #tpu.memory_space<vmem>> -> memref<1x80xi32, #tpu.memory_space<vmem>>
      %dma_wait3A_76 = tpu.memref_squeeze %dma_wait3A_75 : memref<1x80xi32, #tpu.memory_space<vmem>> -> memref<80xi32, #tpu.memory_space<vmem>>
      %dma_wait3A_77 = arith.constant 0 : i32
      %dma_wait3A_78 = arith.constant 0 : i32
      %dma_wait3A_79 = tpu.memref_slice %arg2[%dma_wait3A_77, %dma_wait3A_78] : memref<10000x128xf32, #tpu.memory_space<hbm>> -> memref<10000x128xf32, #tpu.memory_space<hbm>>
      tpu.wait_indirect_dma semaphore(%arg12 : memref<!tpu.dma_semaphore, #tpu.memory_space<semaphore_mem>>) src(%dma_wait3A_79 : memref<10000x128xf32, #tpu.memory_space<hbm>>) dst(%arg9 : memref<80x128xf32, #tpu.memory_space<vmem>>)
      "tpu.region"() ({
        %run_scoped3A_108 = tpu.sem_alloc : memref<!tpu.dma_semaphore, #tpu.memory_space<semaphore_mem>>
        %dma_start3A_109 = arith.constant 0 : i32
        %dma_start3A_110 = tpu.memref_slice %arg8[%mul3A_65, %dma_start3A_109] : memref<125x80xi32, #tpu.memory_space<vmem>> -> memref<1x80xi32, #tpu.memory_space<vmem>>
        %dma_start3A_111 = tpu.memref_squeeze %dma_start3A_110 : memref<1x80xi32, #tpu.memory_space<vmem>> -> memref<80xi32, #tpu.memory_space<vmem>>
        %dma_start3A_112 = arith.constant 0 : i32
        %dma_start3A_113 = arith.constant 0 : i32
        %dma_start3A_114 = tpu.memref_slice %arg11[%dma_start3A_112, %dma_start3A_113] : memref<10000x128xf32, #tpu.memory_space<vmem_shared>> -> memref<10000x128xf32, #tpu.memory_space<vmem_shared>>
        tpu.enqueue_indirect_dma source(%arg9 : memref<80x128xf32, #tpu.memory_space<vmem>>) target(%dma_start3A_114 : memref<10000x128xf32, #tpu.memory_space<vmem_shared>>) offsets(%dma_start3A_111 : memref<80xi32, #tpu.memory_space<vmem>>) semaphore(%run_scoped3A_108 : memref<!tpu.dma_semaphore, #tpu.memory_space<semaphore_mem>>) {add = true}
        %dma_wait3A_115 = arith.constant 0 : i32
        %dma_wait3A_116 = tpu.memref_slice %arg8[%mul3A_65, %dma_wait3A_115] : memref<125x80xi32, #tpu.memory_space<vmem>> -> memref<1x80xi32, #tpu.memory_space<vmem>>
        %dma_wait3A_117 = tpu.memref_squeeze %dma_wait3A_116 : memref<1x80xi32, #tpu.memory_space<vmem>> -> memref<80xi32, #tpu.memory_space<vmem>>
        %dma_wait3A_118 = arith.constant 0 : i32
        %dma_wait3A_119 = arith.constant 0 : i32
        %dma_wait3A_120 = tpu.memref_slice %arg11[%dma_wait3A_118, %dma_wait3A_119] : memref<10000x128xf32, #tpu.memory_space<vmem_shared>> -> memref<10000x128xf32, #tpu.memory_space<vmem_shared>>
        tpu.wait_indirect_dma semaphore(%run_scoped3A_108 : memref<!tpu.dma_semaphore, #tpu.memory_space<semaphore_mem>>) src(%arg9 : memref<80x128xf32, #tpu.memory_space<vmem>>) dst(%dma_wait3A_120 : memref<10000x128xf32, #tpu.memory_space<vmem_shared>>)
        tpu.yield
      }) : () -> ()
      %scan3A_80 = arith.constant 0 : i32
      %scan3A_81 = arith.constant 5 : i32
      %scan3A_82 = arith.addi %scan3A_80, %scan3A_81 : i32
      %scan3A_83 = arith.constant 1 : i32
      scf.for %scan3A_108 = %scan3A_80 to %scan3A_82 step %scan3A_83  : i32 {
        %mul3A_109 = arith.constant 1 : i32
        %mul3A_110 = arith.muli %scan3A_108, %mul3A_109 : i32
        %add3A_111 = arith.constant 0 : i32
        %add3A_112 = arith.addi %add3A_111, %mul3A_110 : i32
        %mul3A_113 = arith.constant 16 : i32
        %mul3A_114 = arith.muli %add3A_112, %mul3A_113 : i32
        %get3A = arith.index_cast %mul3A_65 : i32 to index
        %get3A_115 = arith.index_cast %mul3A_114 : i32 to index
        %get3A_116 = tpu.vector_load %arg8[%get3A, %get3A_115] {strides = array<i32>} : memref<125x80xi32, #tpu.memory_space<vmem>>, vector<16xi32>,
        tpu.vector_store_idx %arg14[%get3A_116], %broadcast_in_dim3A_5 {add = true} : memref<10000xf32, #tpu.memory_space<vmem>>[vector<16xi32>], vector<16xf32>,
      }
      %scan3A_84 = arith.constant 5 : i32
      %add3A_85 = arith.constant 2 : i32
      %add3A_86 = arith.addi %mul3A_65, %add3A_85 : i32
      %dma_start3A_87 = arith.constant 0 : i32
      %dma_start3A_88 = tpu.memref_slice %arg7[%add3A_86, %dma_start3A_87] : memref<125x80xi32, #tpu.memory_space<vmem>> -> memref<1x80xi32, #tpu.memory_space<vmem>>
      %dma_start3A_89 = tpu.memref_squeeze %dma_start3A_88 : memref<1x80xi32, #tpu.memory_space<vmem>> -> memref<80xi32, #tpu.memory_space<vmem>>
      %dma_start3A_90 = arith.constant 0 : i32
      %dma_start3A_91 = arith.constant 0 : i32
      %dma_start3A_92 = tpu.memref_slice %arg2[%dma_start3A_90, %dma_start3A_91] : memref<10000x128xf32, #tpu.memory_space<hbm>> -> memref<10000x128xf32, #tpu.memory_space<hbm>>
      tpu.enqueue_indirect_dma source(%dma_start3A_92 : memref<10000x128xf32, #tpu.memory_space<hbm>>) target(%arg9 : memref<80x128xf32, #tpu.memory_space<vmem>>) offsets(%dma_start3A_89 : memref<80xi32, #tpu.memory_space<vmem>>) semaphore(%arg12 : memref<!tpu.dma_semaphore, #tpu.memory_space<semaphore_mem>>)
      %add3A_93 = arith.constant 1 : i32
      %add3A_94 = arith.addi %mul3A_65, %add3A_93 : i32
      %dma_wait3A_95 = arith.constant 0 : i32
      %dma_wait3A_96 = tpu.memref_slice %arg7[%add3A_94, %dma_wait3A_95] : memref<125x80xi32, #tpu.memory_space<vmem>> -> memref<1x80xi32, #tpu.memory_space<vmem>>
      %dma_wait3A_97 = tpu.memref_squeeze %dma_wait3A_96 : memref<1x80xi32, #tpu.memory_space<vmem>> -> memref<80xi32, #tpu.memory_space<vmem>>
      %dma_wait3A_98 = arith.constant 0 : i32
      %dma_wait3A_99 = arith.constant 0 : i32
      %dma_wait3A_100 = tpu.memref_slice %arg2[%dma_wait3A_98, %dma_wait3A_99] : memref<10000x128xf32, #tpu.memory_space<hbm>> -> memref<10000x128xf32, #tpu.memory_space<hbm>>
      tpu.wait_indirect_dma semaphore(%arg13 : memref<!tpu.dma_semaphore, #tpu.memory_space<semaphore_mem>>) src(%dma_wait3A_100 : memref<10000x128xf32, #tpu.memory_space<hbm>>) dst(%arg10 : memref<80x128xf32, #tpu.memory_space<vmem>>)
      %add3A_101 = arith.constant 1 : i32
      %add3A_102 = arith.addi %mul3A_65, %add3A_101 : i32
      "tpu.region"() ({
        %run_scoped3A_108 = tpu.sem_alloc : memref<!tpu.dma_semaphore, #tpu.memory_space<semaphore_mem>>
        %dma_start3A_109 = arith.constant 0 : i32
        %dma_start3A_110 = tpu.memref_slice %arg8[%add3A_102, %dma_start3A_109] : memref<125x80xi32, #tpu.memory_space<vmem>> -> memref<1x80xi32, #tpu.memory_space<vmem>>
        %dma_start3A_111 = tpu.memref_squeeze %dma_start3A_110 : memref<1x80xi32, #tpu.memory_space<vmem>> -> memref<80xi32, #tpu.memory_space<vmem>>
        %dma_start3A_112 = arith.constant 0 : i32
        %dma_start3A_113 = arith.constant 0 : i32
        %dma_start3A_114 = tpu.memref_slice %arg11[%dma_start3A_112, %dma_start3A_113] : memref<10000x128xf32, #tpu.memory_space<vmem_shared>> -> memref<10000x128xf32, #tpu.memory_space<vmem_shared>>
        tpu.enqueue_indirect_dma source(%arg10 : memref<80x128xf32, #tpu.memory_space<vmem>>) target(%dma_start3A_114 : memref<10000x128xf32, #tpu.memory_space<vmem_shared>>) offsets(%dma_start3A_111 : memref<80xi32, #tpu.memory_space<vmem>>) semaphore(%run_scoped3A_108 : memref<!tpu.dma_semaphore, #tpu.memory_space<semaphore_mem>>) {add = true}
        %dma_wait3A_115 = arith.constant 0 : i32
        %dma_wait3A_116 = tpu.memref_slice %arg8[%add3A_102, %dma_wait3A_115] : memref<125x80xi32, #tpu.memory_space<vmem>> -> memref<1x80xi32, #tpu.memory_space<vmem>>
        %dma_wait3A_117 = tpu.memref_squeeze %dma_wait3A_116 : memref<1x80xi32, #tpu.memory_space<vmem>> -> memref<80xi32, #tpu.memory_space<vmem>>
        %dma_wait3A_118 = arith.constant 0 : i32
        %dma_wait3A_119 = arith.constant 0 : i32
        %dma_wait3A_120 = tpu.memref_slice %arg11[%dma_wait3A_118, %dma_wait3A_119] : memref<10000x128xf32, #tpu.memory_space<vmem_shared>> -> memref<10000x128xf32, #tpu.memory_space<vmem_shared>>
        tpu.wait_indirect_dma semaphore(%run_scoped3A_108 : memref<!tpu.dma_semaphore, #tpu.memory_space<semaphore_mem>>) src(%arg10 : memref<80x128xf32, #tpu.memory_space<vmem>>) dst(%dma_wait3A_120 : memref<10000x128xf32, #tpu.memory_space<vmem_shared>>)
        tpu.yield
      }) : () -> ()
      %scan3A_103 = arith.constant 0 : i32
      %scan3A_104 = arith.constant 5 : i32
      %scan3A_105 = arith.addi %scan3A_103, %scan3A_104 : i32
      %scan3A_106 = arith.constant 1 : i32
      scf.for %scan3A_108 = %scan3A_103 to %scan3A_105 step %scan3A_106  : i32 {
        %mul3A_109 = arith.constant 1 : i32
        %mul3A_110 = arith.muli %scan3A_108, %mul3A_109 : i32
        %add3A_111 = arith.constant 0 : i32
        %add3A_112 = arith.addi %add3A_111, %mul3A_110 : i32
        %mul3A_113 = arith.constant 16 : i32
        %mul3A_114 = arith.muli %add3A_112, %mul3A_113 : i32
        %get3A = arith.index_cast %add3A_102 : i32 to index
        %get3A_115 = arith.index_cast %mul3A_114 : i32 to index
        %get3A_116 = tpu.vector_load %arg8[%get3A, %get3A_115] {strides = array<i32>} : memref<125x80xi32, #tpu.memory_space<vmem>>, vector<16xi32>,
        tpu.vector_store_idx %arg14[%get3A_116], %broadcast_in_dim3A_5 {add = true} : memref<10000xf32, #tpu.memory_space<vmem>>[vector<16xi32>], vector<16xf32>,
      }
      %scan3A_107 = arith.constant 5 : i32
    }
    %scan3A_41 = arith.constant 62 : i32
    %dma_wait3A = arith.constant 124 : i32
    %dma_wait3A_42 = arith.constant 0 : i32
    %dma_wait3A_43 = tpu.memref_slice %arg7[%dma_wait3A, %dma_wait3A_42] : memref<125x80xi32, #tpu.memory_space<vmem>> -> memref<1x80xi32, #tpu.memory_space<vmem>>
    %dma_wait3A_44 = tpu.memref_squeeze %dma_wait3A_43 : memref<1x80xi32, #tpu.memory_space<vmem>> -> memref<80xi32, #tpu.memory_space<vmem>>
    %dma_wait3A_45 = arith.constant 0 : i32
    %dma_wait3A_46 = arith.constant 0 : i32
    %dma_wait3A_47 = tpu.memref_slice %arg2[%dma_wait3A_45, %dma_wait3A_46] : memref<10000x128xf32, #tpu.memory_space<hbm>> -> memref<10000x128xf32, #tpu.memory_space<hbm>>
    tpu.wait_indirect_dma semaphore(%arg12 : memref<!tpu.dma_semaphore, #tpu.memory_space<semaphore_mem>>) src(%dma_wait3A_47 : memref<10000x128xf32, #tpu.memory_space<hbm>>) dst(%arg9 : memref<80x128xf32, #tpu.memory_space<vmem>>)
    %run_scoped3A = arith.constant 124 : i32
    "tpu.region"() ({
      %run_scoped3A_59 = tpu.sem_alloc : memref<!tpu.dma_semaphore, #tpu.memory_space<semaphore_mem>>
      %dma_start3A_60 = arith.constant 0 : i32
      %dma_start3A_61 = tpu.memref_slice %arg8[%run_scoped3A, %dma_start3A_60] : memref<125x80xi32, #tpu.memory_space<vmem>> -> memref<1x80xi32, #tpu.memory_space<vmem>>
      %dma_start3A_62 = tpu.memref_squeeze %dma_start3A_61 : memref<1x80xi32, #tpu.memory_space<vmem>> -> memref<80xi32, #tpu.memory_space<vmem>>
      %dma_start3A_63 = arith.constant 0 : i32
      %dma_start3A_64 = arith.constant 0 : i32
      %dma_start3A_65 = tpu.memref_slice %arg11[%dma_start3A_63, %dma_start3A_64] : memref<10000x128xf32, #tpu.memory_space<vmem_shared>> -> memref<10000x128xf32, #tpu.memory_space<vmem_shared>>
      tpu.enqueue_indirect_dma source(%arg9 : memref<80x128xf32, #tpu.memory_space<vmem>>) target(%dma_start3A_65 : memref<10000x128xf32, #tpu.memory_space<vmem_shared>>) offsets(%dma_start3A_62 : memref<80xi32, #tpu.memory_space<vmem>>) semaphore(%run_scoped3A_59 : memref<!tpu.dma_semaphore, #tpu.memory_space<semaphore_mem>>) {add = true}
      %dma_wait3A_66 = arith.constant 0 : i32
      %dma_wait3A_67 = tpu.memref_slice %arg8[%run_scoped3A, %dma_wait3A_66] : memref<125x80xi32, #tpu.memory_space<vmem>> -> memref<1x80xi32, #tpu.memory_space<vmem>>
      %dma_wait3A_68 = tpu.memref_squeeze %dma_wait3A_67 : memref<1x80xi32, #tpu.memory_space<vmem>> -> memref<80xi32, #tpu.memory_space<vmem>>
      %dma_wait3A_69 = arith.constant 0 : i32
      %dma_wait3A_70 = arith.constant 0 : i32
      %dma_wait3A_71 = tpu.memref_slice %arg11[%dma_wait3A_69, %dma_wait3A_70] : memref<10000x128xf32, #tpu.memory_space<vmem_shared>> -> memref<10000x128xf32, #tpu.memory_space<vmem_shared>>
      tpu.wait_indirect_dma semaphore(%run_scoped3A_59 : memref<!tpu.dma_semaphore, #tpu.memory_space<semaphore_mem>>) src(%arg9 : memref<80x128xf32, #tpu.memory_space<vmem>>) dst(%dma_wait3A_71 : memref<10000x128xf32, #tpu.memory_space<vmem_shared>>)
      tpu.yield
    }) : () -> ()
    %scan3A_48 = arith.constant 0 : i32
    %scan3A_49 = arith.constant 5 : i32
    %scan3A_50 = arith.addi %scan3A_48, %scan3A_49 : i32
    %scan3A_51 = arith.constant 1 : i32
    scf.for %scan3A_59 = %scan3A_48 to %scan3A_50 step %scan3A_51  : i32 {
      %mul3A_60 = arith.constant 1 : i32
      %mul3A_61 = arith.muli %scan3A_59, %mul3A_60 : i32
      %add3A_62 = arith.constant 0 : i32
      %add3A_63 = arith.addi %add3A_62, %mul3A_61 : i32
      %mul3A_64 = arith.constant 16 : i32
      %mul3A_65 = arith.muli %add3A_63, %mul3A_64 : i32
      %get3A = arith.constant 124 : i32
      %get3A_66 = arith.index_cast %get3A : i32 to index
      %get3A_67 = arith.index_cast %mul3A_65 : i32 to index
      %get3A_68 = tpu.vector_load %arg8[%get3A_66, %get3A_67] {strides = array<i32>} : memref<125x80xi32, #tpu.memory_space<vmem>>, vector<16xi32>,
      tpu.vector_store_idx %arg14[%get3A_68], %broadcast_in_dim3A_5 {add = true} : memref<10000xf32, #tpu.memory_space<vmem>>[vector<16xi32>], vector<16xf32>,
    }
    %scan3A_52 = arith.constant 5 : i32
    %barrier3A_53 = arith.constant 0 : index
    tpu.barrier barrier_id(%barrier3A_53)
    "tpu.region"() ({
      %run_scoped3A_59 = tpu.sem_alloc : memref<!tpu.dma_semaphore, #tpu.memory_space<semaphore_mem>>
      %dma_start3A_60 = arith.constant 0 : i32
      %dma_start3A_61 = tpu.memref_slice %arg5[%arg0, %mul3A_2, %dma_start3A_60] : memref<2x10000x128xf32, #tpu.memory_space<hbm>> -> memref<1x625x128xf32, #tpu.memory_space<hbm>>
      %dma_start3A_62 = tpu.memref_squeeze %dma_start3A_61 : memref<1x625x128xf32, #tpu.memory_space<hbm>> -> memref<625x128xf32, #tpu.memory_space<hbm>>
      %dma_start3A_63 = arith.constant 0 : i32
      %dma_start3A_64 = tpu.memref_slice %arg11[%mul3A_2, %dma_start3A_63] : memref<10000x128xf32, #tpu.memory_space<vmem_shared>> -> memref<625x128xf32, #tpu.memory_space<vmem_shared>>
      tpu.enqueue_dma source(%dma_start3A_64 : memref<625x128xf32, #tpu.memory_space<vmem_shared>>) target(%dma_start3A_62 : memref<625x128xf32, #tpu.memory_space<hbm>>) target_semaphore(%run_scoped3A_59 : memref<!tpu.dma_semaphore, #tpu.memory_space<semaphore_mem>>)
      %dma_wait3A_65 = arith.constant 0 : i32
      %dma_wait3A_66 = tpu.memref_slice %arg5[%arg0, %mul3A_2, %dma_wait3A_65] : memref<2x10000x128xf32, #tpu.memory_space<hbm>> -> memref<1x625x128xf32, #tpu.memory_space<hbm>>
      %dma_wait3A_67 = tpu.memref_squeeze %dma_wait3A_66 : memref<1x625x128xf32, #tpu.memory_space<hbm>> -> memref<625x128xf32, #tpu.memory_space<hbm>>
      %dma_wait3A_68 = arith.constant 0 : i32
      %dma_wait3A_69 = tpu.memref_slice %arg11[%mul3A_2, %dma_wait3A_68] : memref<10000x128xf32, #tpu.memory_space<vmem_shared>> -> memref<625x128xf32, #tpu.memory_space<vmem_shared>>
      tpu.wait_dma2 semaphore(%run_scoped3A_59 : memref<!tpu.dma_semaphore, #tpu.memory_space<semaphore_mem>>) src(%dma_wait3A_69 : memref<625x128xf32, #tpu.memory_space<vmem_shared>>) dst(%dma_wait3A_67 : memref<625x128xf32, #tpu.memory_space<hbm>>)
      tpu.yield
    }) : () -> ()
    %run_scoped3A_54 = arith.constant 0 : i32
    "tpu.region"() ({
      %run_scoped3A_59 = tpu.sem_alloc : memref<!tpu.dma_semaphore, #tpu.memory_space<semaphore_mem>>
      %dma_start3A_60 = arith.constant 0 : i32
      %dma_start3A_61 = tpu.memref_slice %arg14[%dma_start3A_60] : memref<10000xf32, #tpu.memory_space<vmem>> -> memref<2000xf32, #tpu.memory_space<vmem>>
      %dma_start3A_62 = arith.constant 0 : i32
      %dma_start3A_63 = tpu.memref_slice %arg6[%run_scoped3A_54, %add3A, %dma_start3A_62] : memref<5x32x2000xf32, #tpu.memory_space<hbm>> -> memref<1x1x2000xf32, #tpu.memory_space<hbm>>
      %dma_start3A_64 = tpu.memref_squeeze %dma_start3A_63 : memref<1x1x2000xf32, #tpu.memory_space<hbm>> -> memref<2000xf32, #tpu.memory_space<hbm>>
      %dma_start3A_65 = arith.constant 0 : i32
      %dma_start3A_66 = tpu.memref_slice %arg6[%run_scoped3A_54, %add3A, %dma_start3A_65] : memref<5x32x2000xf32, #tpu.memory_space<hbm>> -> memref<1x1x2000xf32, #tpu.memory_space<hbm>>
      %dma_start3A_67 = tpu.memref_squeeze %dma_start3A_66 : memref<1x1x2000xf32, #tpu.memory_space<hbm>> -> memref<2000xf32, #tpu.memory_space<hbm>>
      %dma_start3A_68 = arith.constant 0 : i32
      %dma_start3A_69 = tpu.memref_slice %arg14[%dma_start3A_68] : memref<10000xf32, #tpu.memory_space<vmem>> -> memref<2000xf32, #tpu.memory_space<vmem>>
      tpu.enqueue_dma source(%dma_start3A_69 : memref<2000xf32, #tpu.memory_space<vmem>>) target(%dma_start3A_67 : memref<2000xf32, #tpu.memory_space<hbm>>) target_semaphore(%run_scoped3A_59 : memref<!tpu.dma_semaphore, #tpu.memory_space<semaphore_mem>>)
      %dma_wait3A_70 = arith.constant 0 : i32
      %dma_wait3A_71 = tpu.memref_slice %arg14[%dma_wait3A_70] : memref<10000xf32, #tpu.memory_space<vmem>> -> memref<2000xf32, #tpu.memory_space<vmem>>
      %dma_wait3A_72 = arith.constant 0 : i32
      %dma_wait3A_73 = tpu.memref_slice %arg6[%run_scoped3A_54, %add3A, %dma_wait3A_72] : memref<5x32x2000xf32, #tpu.memory_space<hbm>> -> memref<1x1x2000xf32, #tpu.memory_space<hbm>>
      %dma_wait3A_74 = tpu.memref_squeeze %dma_wait3A_73 : memref<1x1x2000xf32, #tpu.memory_space<hbm>> -> memref<2000xf32, #tpu.memory_space<hbm>>
      %dma_wait3A_75 = arith.constant 0 : i32
      %dma_wait3A_76 = tpu.memref_slice %arg6[%run_scoped3A_54, %add3A, %dma_wait3A_75] : memref<5x32x2000xf32, #tpu.memory_space<hbm>> -> memref<1x1x2000xf32, #tpu.memory_space<hbm>>
      %dma_wait3A_77 = tpu.memref_squeeze %dma_wait3A_76 : memref<1x1x2000xf32, #tpu.memory_space<hbm>> -> memref<2000xf32, #tpu.memory_space<hbm>>
      %dma_wait3A_78 = arith.constant 0 : i32
      %dma_wait3A_79 = tpu.memref_slice %arg14[%dma_wait3A_78] : memref<10000xf32, #tpu.memory_space<vmem>> -> memref<2000xf32, #tpu.memory_space<vmem>>
      tpu.wait_dma2 semaphore(%run_scoped3A_59 : memref<!tpu.dma_semaphore, #tpu.memory_space<semaphore_mem>>) src(%dma_wait3A_79 : memref<2000xf32, #tpu.memory_space<vmem>>) dst(%dma_wait3A_77 : memref<2000xf32, #tpu.memory_space<hbm>>)
      tpu.yield
    }) : () -> ()
    %run_scoped3A_55 = arith.constant 1 : i32
    "tpu.region"() ({
      %run_scoped3A_59 = tpu.sem_alloc : memref<!tpu.dma_semaphore, #tpu.memory_space<semaphore_mem>>
      %dma_start3A_60 = arith.constant 2000 : i32
      %dma_start3A_61 = tpu.memref_slice %arg14[%dma_start3A_60] : memref<10000xf32, #tpu.memory_space<vmem>> -> memref<2000xf32, #tpu.memory_space<vmem>>
      %dma_start3A_62 = arith.constant 0 : i32
      %dma_start3A_63 = tpu.memref_slice %arg6[%run_scoped3A_55, %add3A, %dma_start3A_62] : memref<5x32x2000xf32, #tpu.memory_space<hbm>> -> memref<1x1x2000xf32, #tpu.memory_space<hbm>>
      %dma_start3A_64 = tpu.memref_squeeze %dma_start3A_63 : memref<1x1x2000xf32, #tpu.memory_space<hbm>> -> memref<2000xf32, #tpu.memory_space<hbm>>
      %dma_start3A_65 = arith.constant 0 : i32
      %dma_start3A_66 = tpu.memref_slice %arg6[%run_scoped3A_55, %add3A, %dma_start3A_65] : memref<5x32x2000xf32, #tpu.memory_space<hbm>> -> memref<1x1x2000xf32, #tpu.memory_space<hbm>>
      %dma_start3A_67 = tpu.memref_squeeze %dma_start3A_66 : memref<1x1x2000xf32, #tpu.memory_space<hbm>> -> memref<2000xf32, #tpu.memory_space<hbm>>
      %dma_start3A_68 = arith.constant 2000 : i32
      %dma_start3A_69 = tpu.memref_slice %arg14[%dma_start3A_68] : memref<10000xf32, #tpu.memory_space<vmem>> -> memref<2000xf32, #tpu.memory_space<vmem>>
      tpu.enqueue_dma source(%dma_start3A_69 : memref<2000xf32, #tpu.memory_space<vmem>>) target(%dma_start3A_67 : memref<2000xf32, #tpu.memory_space<hbm>>) target_semaphore(%run_scoped3A_59 : memref<!tpu.dma_semaphore, #tpu.memory_space<semaphore_mem>>)
      %dma_wait3A_70 = arith.constant 2000 : i32
      %dma_wait3A_71 = tpu.memref_slice %arg14[%dma_wait3A_70] : memref<10000xf32, #tpu.memory_space<vmem>> -> memref<2000xf32, #tpu.memory_space<vmem>>
      %dma_wait3A_72 = arith.constant 0 : i32
      %dma_wait3A_73 = tpu.memref_slice %arg6[%run_scoped3A_55, %add3A, %dma_wait3A_72] : memref<5x32x2000xf32, #tpu.memory_space<hbm>> -> memref<1x1x2000xf32, #tpu.memory_space<hbm>>
      %dma_wait3A_74 = tpu.memref_squeeze %dma_wait3A_73 : memref<1x1x2000xf32, #tpu.memory_space<hbm>> -> memref<2000xf32, #tpu.memory_space<hbm>>
      %dma_wait3A_75 = arith.constant 0 : i32
      %dma_wait3A_76 = tpu.memref_slice %arg6[%run_scoped3A_55, %add3A, %dma_wait3A_75] : memref<5x32x2000xf32, #tpu.memory_space<hbm>> -> memref<1x1x2000xf32, #tpu.memory_space<hbm>>
      %dma_wait3A_77 = tpu.memref_squeeze %dma_wait3A_76 : memref<1x1x2000xf32, #tpu.memory_space<hbm>> -> memref<2000xf32, #tpu.memory_space<hbm>>
      %dma_wait3A_78 = arith.constant 2000 : i32
      %dma_wait3A_79 = tpu.memref_slice %arg14[%dma_wait3A_78] : memref<10000xf32, #tpu.memory_space<vmem>> -> memref<2000xf32, #tpu.memory_space<vmem>>
      tpu.wait_dma2 semaphore(%run_scoped3A_59 : memref<!tpu.dma_semaphore, #tpu.memory_space<semaphore_mem>>) src(%dma_wait3A_79 : memref<2000xf32, #tpu.memory_space<vmem>>) dst(%dma_wait3A_77 : memref<2000xf32, #tpu.memory_space<hbm>>)
      tpu.yield
    }) : () -> ()
    %run_scoped3A_56 = arith.constant 2 : i32
    "tpu.region"() ({
      %run_scoped3A_59 = tpu.sem_alloc : memref<!tpu.dma_semaphore, #tpu.memory_space<semaphore_mem>>
      %dma_start3A_60 = arith.constant 4000 : i32
      %dma_start3A_61 = tpu.memref_slice %arg14[%dma_start3A_60] : memref<10000xf32, #tpu.memory_space<vmem>> -> memref<2000xf32, #tpu.memory_space<vmem>>
      %dma_start3A_62 = arith.constant 0 : i32
      %dma_start3A_63 = tpu.memref_slice %arg6[%run_scoped3A_56, %add3A, %dma_start3A_62] : memref<5x32x2000xf32, #tpu.memory_space<hbm>> -> memref<1x1x2000xf32, #tpu.memory_space<hbm>>
      %dma_start3A_64 = tpu.memref_squeeze %dma_start3A_63 : memref<1x1x2000xf32, #tpu.memory_space<hbm>> -> memref<2000xf32, #tpu.memory_space<hbm>>
      %dma_start3A_65 = arith.constant 0 : i32
      %dma_start3A_66 = tpu.memref_slice %arg6[%run_scoped3A_56, %add3A, %dma_start3A_65] : memref<5x32x2000xf32, #tpu.memory_space<hbm>> -> memref<1x1x2000xf32, #tpu.memory_space<hbm>>
      %dma_start3A_67 = tpu.memref_squeeze %dma_start3A_66 : memref<1x1x2000xf32, #tpu.memory_space<hbm>> -> memref<2000xf32, #tpu.memory_space<hbm>>
      %dma_start3A_68 = arith.constant 4000 : i32
      %dma_start3A_69 = tpu.memref_slice %arg14[%dma_start3A_68] : memref<10000xf32, #tpu.memory_space<vmem>> -> memref<2000xf32, #tpu.memory_space<vmem>>
      tpu.enqueue_dma source(%dma_start3A_69 : memref<2000xf32, #tpu.memory_space<vmem>>) target(%dma_start3A_67 : memref<2000xf32, #tpu.memory_space<hbm>>) target_semaphore(%run_scoped3A_59 : memref<!tpu.dma_semaphore, #tpu.memory_space<semaphore_mem>>)
      %dma_wait3A_70 = arith.constant 4000 : i32
      %dma_wait3A_71 = tpu.memref_slice %arg14[%dma_wait3A_70] : memref<10000xf32, #tpu.memory_space<vmem>> -> memref<2000xf32, #tpu.memory_space<vmem>>
      %dma_wait3A_72 = arith.constant 0 : i32
      %dma_wait3A_73 = tpu.memref_slice %arg6[%run_scoped3A_56, %add3A, %dma_wait3A_72] : memref<5x32x2000xf32, #tpu.memory_space<hbm>> -> memref<1x1x2000xf32, #tpu.memory_space<hbm>>
      %dma_wait3A_74 = tpu.memref_squeeze %dma_wait3A_73 : memref<1x1x2000xf32, #tpu.memory_space<hbm>> -> memref<2000xf32, #tpu.memory_space<hbm>>
      %dma_wait3A_75 = arith.constant 0 : i32
      %dma_wait3A_76 = tpu.memref_slice %arg6[%run_scoped3A_56, %add3A, %dma_wait3A_75] : memref<5x32x2000xf32, #tpu.memory_space<hbm>> -> memref<1x1x2000xf32, #tpu.memory_space<hbm>>
      %dma_wait3A_77 = tpu.memref_squeeze %dma_wait3A_76 : memref<1x1x2000xf32, #tpu.memory_space<hbm>> -> memref<2000xf32, #tpu.memory_space<hbm>>
      %dma_wait3A_78 = arith.constant 4000 : i32
      %dma_wait3A_79 = tpu.memref_slice %arg14[%dma_wait3A_78] : memref<10000xf32, #tpu.memory_space<vmem>> -> memref<2000xf32, #tpu.memory_space<vmem>>
      tpu.wait_dma2 semaphore(%run_scoped3A_59 : memref<!tpu.dma_semaphore, #tpu.memory_space<semaphore_mem>>) src(%dma_wait3A_79 : memref<2000xf32, #tpu.memory_space<vmem>>) dst(%dma_wait3A_77 : memref<2000xf32, #tpu.memory_space<hbm>>)
      tpu.yield
    }) : () -> ()
    %run_scoped3A_57 = arith.constant 3 : i32
    "tpu.region"() ({
      %run_scoped3A_59 = tpu.sem_alloc : memref<!tpu.dma_semaphore, #tpu.memory_space<semaphore_mem>>
      %dma_start3A_60 = arith.constant 6000 : i32
      %dma_start3A_61 = tpu.memref_slice %arg14[%dma_start3A_60] : memref<10000xf32, #tpu.memory_space<vmem>> -> memref<2000xf32, #tpu.memory_space<vmem>>
      %dma_start3A_62 = arith.constant 0 : i32
      %dma_start3A_63 = tpu.memref_slice %arg6[%run_scoped3A_57, %add3A, %dma_start3A_62] : memref<5x32x2000xf32, #tpu.memory_space<hbm>> -> memref<1x1x2000xf32, #tpu.memory_space<hbm>>
      %dma_start3A_64 = tpu.memref_squeeze %dma_start3A_63 : memref<1x1x2000xf32, #tpu.memory_space<hbm>> -> memref<2000xf32, #tpu.memory_space<hbm>>
      %dma_start3A_65 = arith.constant 0 : i32
      %dma_start3A_66 = tpu.memref_slice %arg6[%run_scoped3A_57, %add3A, %dma_start3A_65] : memref<5x32x2000xf32, #tpu.memory_space<hbm>> -> memref<1x1x2000xf32, #tpu.memory_space<hbm>>
      %dma_start3A_67 = tpu.memref_squeeze %dma_start3A_66 : memref<1x1x2000xf32, #tpu.memory_space<hbm>> -> memref<2000xf32, #tpu.memory_space<hbm>>
      %dma_start3A_68 = arith.constant 6000 : i32
      %dma_start3A_69 = tpu.memref_slice %arg14[%dma_start3A_68] : memref<10000xf32, #tpu.memory_space<vmem>> -> memref<2000xf32, #tpu.memory_space<vmem>>
      tpu.enqueue_dma source(%dma_start3A_69 : memref<2000xf32, #tpu.memory_space<vmem>>) target(%dma_start3A_67 : memref<2000xf32, #tpu.memory_space<hbm>>) target_semaphore(%run_scoped3A_59 : memref<!tpu.dma_semaphore, #tpu.memory_space<semaphore_mem>>)
      %dma_wait3A_70 = arith.constant 6000 : i32
      %dma_wait3A_71 = tpu.memref_slice %arg14[%dma_wait3A_70] : memref<10000xf32, #tpu.memory_space<vmem>> -> memref<2000xf32, #tpu.memory_space<vmem>>
      %dma_wait3A_72 = arith.constant 0 : i32
      %dma_wait3A_73 = tpu.memref_slice %arg6[%run_scoped3A_57, %add3A, %dma_wait3A_72] : memref<5x32x2000xf32, #tpu.memory_space<hbm>> -> memref<1x1x2000xf32, #tpu.memory_space<hbm>>
      %dma_wait3A_74 = tpu.memref_squeeze %dma_wait3A_73 : memref<1x1x2000xf32, #tpu.memory_space<hbm>> -> memref<2000xf32, #tpu.memory_space<hbm>>
      %dma_wait3A_75 = arith.constant 0 : i32
      %dma_wait3A_76 = tpu.memref_slice %arg6[%run_scoped3A_57, %add3A, %dma_wait3A_75] : memref<5x32x2000xf32, #tpu.memory_space<hbm>> -> memref<1x1x2000xf32, #tpu.memory_space<hbm>>
      %dma_wait3A_77 = tpu.memref_squeeze %dma_wait3A_76 : memref<1x1x2000xf32, #tpu.memory_space<hbm>> -> memref<2000xf32, #tpu.memory_space<hbm>>
      %dma_wait3A_78 = arith.constant 6000 : i32
      %dma_wait3A_79 = tpu.memref_slice %arg14[%dma_wait3A_78] : memref<10000xf32, #tpu.memory_space<vmem>> -> memref<2000xf32, #tpu.memory_space<vmem>>
      tpu.wait_dma2 semaphore(%run_scoped3A_59 : memref<!tpu.dma_semaphore, #tpu.memory_space<semaphore_mem>>) src(%dma_wait3A_79 : memref<2000xf32, #tpu.memory_space<vmem>>) dst(%dma_wait3A_77 : memref<2000xf32, #tpu.memory_space<hbm>>)
      tpu.yield
    }) : () -> ()
    %run_scoped3A_58 = arith.constant 4 : i32
    "tpu.region"() ({
      %run_scoped3A_59 = tpu.sem_alloc : memref<!tpu.dma_semaphore, #tpu.memory_space<semaphore_mem>>
      %dma_start3A_60 = arith.constant 8000 : i32
      %dma_start3A_61 = tpu.memref_slice %arg14[%dma_start3A_60] : memref<10000xf32, #tpu.memory_space<vmem>> -> memref<2000xf32, #tpu.memory_space<vmem>>
      %dma_start3A_62 = arith.constant 0 : i32
      %dma_start3A_63 = tpu.memref_slice %arg6[%run_scoped3A_58, %add3A, %dma_start3A_62] : memref<5x32x2000xf32, #tpu.memory_space<hbm>> -> memref<1x1x2000xf32, #tpu.memory_space<hbm>>
      %dma_start3A_64 = tpu.memref_squeeze %dma_start3A_63 : memref<1x1x2000xf32, #tpu.memory_space<hbm>> -> memref<2000xf32, #tpu.memory_space<hbm>>
      %dma_start3A_65 = arith.constant 0 : i32
      %dma_start3A_66 = tpu.memref_slice %arg6[%run_scoped3A_58, %add3A, %dma_start3A_65] : memref<5x32x2000xf32, #tpu.memory_space<hbm>> -> memref<1x1x2000xf32, #tpu.memory_space<hbm>>
      %dma_start3A_67 = tpu.memref_squeeze %dma_start3A_66 : memref<1x1x2000xf32, #tpu.memory_space<hbm>> -> memref<2000xf32, #tpu.memory_space<hbm>>
      %dma_start3A_68 = arith.constant 8000 : i32
      %dma_start3A_69 = tpu.memref_slice %arg14[%dma_start3A_68] : memref<10000xf32, #tpu.memory_space<vmem>> -> memref<2000xf32, #tpu.memory_space<vmem>>
      tpu.enqueue_dma source(%dma_start3A_69 : memref<2000xf32, #tpu.memory_space<vmem>>) target(%dma_start3A_67 : memref<2000xf32, #tpu.memory_space<hbm>>) target_semaphore(%run_scoped3A_59 : memref<!tpu.dma_semaphore, #tpu.memory_space<semaphore_mem>>)
      %dma_wait3A_70 = arith.constant 8000 : i32
      %dma_wait3A_71 = tpu.memref_slice %arg14[%dma_wait3A_70] : memref<10000xf32, #tpu.memory_space<vmem>> -> memref<2000xf32, #tpu.memory_space<vmem>>
      %dma_wait3A_72 = arith.constant 0 : i32
      %dma_wait3A_73 = tpu.memref_slice %arg6[%run_scoped3A_58, %add3A, %dma_wait3A_72] : memref<5x32x2000xf32, #tpu.memory_space<hbm>> -> memref<1x1x2000xf32, #tpu.memory_space<hbm>>
      %dma_wait3A_74 = tpu.memref_squeeze %dma_wait3A_73 : memref<1x1x2000xf32, #tpu.memory_space<hbm>> -> memref<2000xf32, #tpu.memory_space<hbm>>
      %dma_wait3A_75 = arith.constant 0 : i32
      %dma_wait3A_76 = tpu.memref_slice %arg6[%run_scoped3A_58, %add3A, %dma_wait3A_75] : memref<5x32x2000xf32, #tpu.memory_space<hbm>> -> memref<1x1x2000xf32, #tpu.memory_space<hbm>>
      %dma_wait3A_77 = tpu.memref_squeeze %dma_wait3A_76 : memref<1x1x2000xf32, #tpu.memory_space<hbm>> -> memref<2000xf32, #tpu.memory_space<hbm>>
      %dma_wait3A_78 = arith.constant 8000 : i32
      %dma_wait3A_79 = tpu.memref_slice %arg14[%dma_wait3A_78] : memref<10000xf32, #tpu.memory_space<vmem>> -> memref<2000xf32, #tpu.memory_space<vmem>>
      tpu.wait_dma2 semaphore(%run_scoped3A_59 : memref<!tpu.dma_semaphore, #tpu.memory_space<semaphore_mem>>) src(%dma_wait3A_79 : memref<2000xf32, #tpu.memory_space<vmem>>) dst(%dma_wait3A_77 : memref<2000xf32, #tpu.memory_space<hbm>>)
      tpu.yield
    }) : () -> ()
    return
  }
}

#map = affine_map<(d0, d1) -> (0, 0)>
#map1 = affine_map<(d0, d1) -> (0, 0, 0)>
module attributes {stable_mosaic.version = 14 : i64} {
  func.func @body(%arg0: i32, %arg1: i32, %arg2: memref<10000x64xf32, #tpu.memory_space<hbm>>, %arg3: memref<32x125x80xi32, #tpu.memory_space<hbm>>, %arg4: memref<32x125x80xi32, #tpu.memory_space<hbm>>, %arg5: memref<2x10000x64xf32, #tpu.memory_space<hbm>>, %arg6: memref<125x80xi32, #tpu.memory_space<vmem>>, %arg7: memref<125x80xi32, #tpu.memory_space<vmem>>, %arg8: memref<80x64xf32, #tpu.memory_space<vmem>>, %arg9: memref<80x64xf32, #tpu.memory_space<vmem>>, %arg10: memref<10000x64xf32, #tpu.memory_space<vmem_shared>>, %arg11: memref<!tpu.dma_semaphore, #tpu.memory_space<semaphore_mem>>, %arg12: memref<!tpu.dma_semaphore, #tpu.memory_space<semaphore_mem>>) attributes {dimension_semantics = [#tpu.dimension_semantics<core_parallel>, #tpu.dimension_semantics<subcore_parallel>], iteration_bounds = array<i64: 2, 16>, scalar_prefetch = 0 : i64, scratch_operands = 7 : i64, tpu.core_type = #tpu.core_type<sc_vector_subcore>, window_params = [{transform_indices = #map}, {transform_indices = #map1}, {transform_indices = #map1}, {transform_indices = #map1}]} {
    %mul3A = arith.constant 2 : i32
    %mul3A_0 = arith.muli %arg1, %mul3A : i32
    %add3A = arith.addi %mul3A_0, %arg0 : i32
    %mul3A_1 = arith.constant 625 : i32
    %mul3A_2 = arith.muli %arg1, %mul3A_1 : i32
    %broadcast_in_dim3A = arith.constant 0.000000e+00 : f32
    %broadcast_in_dim3A_3 = vector.broadcast %broadcast_in_dim3A : f32 to vector<16xf32>
    %broadcast_in_dim3A_4 = arith.constant 1.000000e+00 : f32
    %broadcast_in_dim3A_5 = vector.broadcast %broadcast_in_dim3A_4 : f32 to vector<16xf32>
    %scan3A = arith.constant 0 : i32
    %scan3A_6 = arith.constant 80 : i32
    %scan3A_7 = arith.addi %scan3A, %scan3A_6 : i32
    %scan3A_8 = arith.constant 1 : i32
    scf.for %scan3A_44 = %scan3A to %scan3A_7 step %scan3A_8  : i32 {
      %mul3A_45 = arith.constant 1 : i32
      %mul3A_46 = arith.muli %scan3A_44, %mul3A_45 : i32
      %add3A_47 = arith.constant 0 : i32
      %add3A_48 = arith.addi %add3A_47, %mul3A_46 : i32
      %scan3A_49 = arith.constant 0 : i32
      %scan3A_50 = arith.constant 4 : i32
      %scan3A_51 = arith.addi %scan3A_49, %scan3A_50 : i32
      %scan3A_52 = arith.constant 1 : i32
      scf.for %scan3A_54 = %scan3A_49 to %scan3A_51 step %scan3A_52  : i32 {
        %mul3A_55 = arith.constant 1 : i32
        %mul3A_56 = arith.muli %scan3A_54, %mul3A_55 : i32
        %add3A_57 = arith.constant 0 : i32
        %add3A_58 = arith.addi %add3A_57, %mul3A_56 : i32
        %mul3A_59 = arith.constant 16 : i32
        %mul3A_60 = arith.muli %add3A_58, %mul3A_59 : i32
        %swap3A = arith.index_cast %add3A_48 : i32 to index
        %swap3A_61 = arith.index_cast %mul3A_60 : i32 to index
        %swap3A_62 = tpu.vector_load %arg8[%swap3A, %swap3A_61] {strides = array<i32>} : memref<80x64xf32, #tpu.memory_space<vmem>>, vector<1x16xf32>,
        %swap3A_63 = vector.shape_cast %swap3A_62 : vector<1x16xf32> to vector<16xf32>
        %swap3A_64 = vector.shape_cast %broadcast_in_dim3A_3 : vector<16xf32> to vector<1x16xf32>
        tpu.vector_store %arg8[%swap3A, %swap3A_61], %swap3A_64 {strides = array<i32>} : memref<80x64xf32, #tpu.memory_space<vmem>>, vector<1x16xf32>,
      }
      %scan3A_53 = arith.constant 4 : i32
    }
    %scan3A_9 = arith.constant 80 : i32
    %add3A_10 = arith.constant 0 : i32
    %add3A_11 = arith.addi %mul3A_2, %add3A_10 : i32
    "tpu.region"() ({
      %run_scoped3A_44 = tpu.sem_alloc : memref<!tpu.dma_semaphore, #tpu.memory_space<semaphore_mem>>
      %dma_start3A_45 = arith.constant 0 : i32
      %dma_start3A_46 = tpu.memref_slice %arg10[%add3A_11, %dma_start3A_45] : memref<10000x64xf32, #tpu.memory_space<vmem_shared>> -> memref<80x64xf32, #tpu.memory_space<vmem_shared>>
      %dma_start3A_47 = arith.constant 0 : i32
      %dma_start3A_48 = tpu.memref_slice %arg10[%add3A_11, %dma_start3A_47] : memref<10000x64xf32, #tpu.memory_space<vmem_shared>> -> memref<80x64xf32, #tpu.memory_space<vmem_shared>>
      tpu.enqueue_dma source(%arg8 : memref<80x64xf32, #tpu.memory_space<vmem>>) target(%dma_start3A_48 : memref<80x64xf32, #tpu.memory_space<vmem_shared>>) target_semaphore(%run_scoped3A_44 : memref<!tpu.dma_semaphore, #tpu.memory_space<semaphore_mem>>)
      %dma_wait3A_49 = arith.constant 0 : i32
      %dma_wait3A_50 = tpu.memref_slice %arg10[%add3A_11, %dma_wait3A_49] : memref<10000x64xf32, #tpu.memory_space<vmem_shared>> -> memref<80x64xf32, #tpu.memory_space<vmem_shared>>
      %dma_wait3A_51 = arith.constant 0 : i32
      %dma_wait3A_52 = tpu.memref_slice %arg10[%add3A_11, %dma_wait3A_51] : memref<10000x64xf32, #tpu.memory_space<vmem_shared>> -> memref<80x64xf32, #tpu.memory_space<vmem_shared>>
      tpu.wait_dma2 semaphore(%run_scoped3A_44 : memref<!tpu.dma_semaphore, #tpu.memory_space<semaphore_mem>>) src(%arg8 : memref<80x64xf32, #tpu.memory_space<vmem>>) dst(%dma_wait3A_52 : memref<80x64xf32, #tpu.memory_space<vmem_shared>>)
      tpu.yield
    }) : () -> ()
    %add3A_12 = arith.constant 80 : i32
    %add3A_13 = arith.addi %mul3A_2, %add3A_12 : i32
    "tpu.region"() ({
      %run_scoped3A_44 = tpu.sem_alloc : memref<!tpu.dma_semaphore, #tpu.memory_space<semaphore_mem>>
      %dma_start3A_45 = arith.constant 0 : i32
      %dma_start3A_46 = tpu.memref_slice %arg10[%add3A_13, %dma_start3A_45] : memref<10000x64xf32, #tpu.memory_space<vmem_shared>> -> memref<80x64xf32, #tpu.memory_space<vmem_shared>>
      %dma_start3A_47 = arith.constant 0 : i32
      %dma_start3A_48 = tpu.memref_slice %arg10[%add3A_13, %dma_start3A_47] : memref<10000x64xf32, #tpu.memory_space<vmem_shared>> -> memref<80x64xf32, #tpu.memory_space<vmem_shared>>
      tpu.enqueue_dma source(%arg8 : memref<80x64xf32, #tpu.memory_space<vmem>>) target(%dma_start3A_48 : memref<80x64xf32, #tpu.memory_space<vmem_shared>>) target_semaphore(%run_scoped3A_44 : memref<!tpu.dma_semaphore, #tpu.memory_space<semaphore_mem>>)
      %dma_wait3A_49 = arith.constant 0 : i32
      %dma_wait3A_50 = tpu.memref_slice %arg10[%add3A_13, %dma_wait3A_49] : memref<10000x64xf32, #tpu.memory_space<vmem_shared>> -> memref<80x64xf32, #tpu.memory_space<vmem_shared>>
      %dma_wait3A_51 = arith.constant 0 : i32
      %dma_wait3A_52 = tpu.memref_slice %arg10[%add3A_13, %dma_wait3A_51] : memref<10000x64xf32, #tpu.memory_space<vmem_shared>> -> memref<80x64xf32, #tpu.memory_space<vmem_shared>>
      tpu.wait_dma2 semaphore(%run_scoped3A_44 : memref<!tpu.dma_semaphore, #tpu.memory_space<semaphore_mem>>) src(%arg8 : memref<80x64xf32, #tpu.memory_space<vmem>>) dst(%dma_wait3A_52 : memref<80x64xf32, #tpu.memory_space<vmem_shared>>)
      tpu.yield
    }) : () -> ()
    %add3A_14 = arith.constant 160 : i32
    %add3A_15 = arith.addi %mul3A_2, %add3A_14 : i32
    "tpu.region"() ({
      %run_scoped3A_44 = tpu.sem_alloc : memref<!tpu.dma_semaphore, #tpu.memory_space<semaphore_mem>>
      %dma_start3A_45 = arith.constant 0 : i32
      %dma_start3A_46 = tpu.memref_slice %arg10[%add3A_15, %dma_start3A_45] : memref<10000x64xf32, #tpu.memory_space<vmem_shared>> -> memref<80x64xf32, #tpu.memory_space<vmem_shared>>
      %dma_start3A_47 = arith.constant 0 : i32
      %dma_start3A_48 = tpu.memref_slice %arg10[%add3A_15, %dma_start3A_47] : memref<10000x64xf32, #tpu.memory_space<vmem_shared>> -> memref<80x64xf32, #tpu.memory_space<vmem_shared>>
      tpu.enqueue_dma source(%arg8 : memref<80x64xf32, #tpu.memory_space<vmem>>) target(%dma_start3A_48 : memref<80x64xf32, #tpu.memory_space<vmem_shared>>) target_semaphore(%run_scoped3A_44 : memref<!tpu.dma_semaphore, #tpu.memory_space<semaphore_mem>>)
      %dma_wait3A_49 = arith.constant 0 : i32
      %dma_wait3A_50 = tpu.memref_slice %arg10[%add3A_15, %dma_wait3A_49] : memref<10000x64xf32, #tpu.memory_space<vmem_shared>> -> memref<80x64xf32, #tpu.memory_space<vmem_shared>>
      %dma_wait3A_51 = arith.constant 0 : i32
      %dma_wait3A_52 = tpu.memref_slice %arg10[%add3A_15, %dma_wait3A_51] : memref<10000x64xf32, #tpu.memory_space<vmem_shared>> -> memref<80x64xf32, #tpu.memory_space<vmem_shared>>
      tpu.wait_dma2 semaphore(%run_scoped3A_44 : memref<!tpu.dma_semaphore, #tpu.memory_space<semaphore_mem>>) src(%arg8 : memref<80x64xf32, #tpu.memory_space<vmem>>) dst(%dma_wait3A_52 : memref<80x64xf32, #tpu.memory_space<vmem_shared>>)
      tpu.yield
    }) : () -> ()
    %add3A_16 = arith.constant 240 : i32
    %add3A_17 = arith.addi %mul3A_2, %add3A_16 : i32
    "tpu.region"() ({
      %run_scoped3A_44 = tpu.sem_alloc : memref<!tpu.dma_semaphore, #tpu.memory_space<semaphore_mem>>
      %dma_start3A_45 = arith.constant 0 : i32
      %dma_start3A_46 = tpu.memref_slice %arg10[%add3A_17, %dma_start3A_45] : memref<10000x64xf32, #tpu.memory_space<vmem_shared>> -> memref<80x64xf32, #tpu.memory_space<vmem_shared>>
      %dma_start3A_47 = arith.constant 0 : i32
      %dma_start3A_48 = tpu.memref_slice %arg10[%add3A_17, %dma_start3A_47] : memref<10000x64xf32, #tpu.memory_space<vmem_shared>> -> memref<80x64xf32, #tpu.memory_space<vmem_shared>>
      tpu.enqueue_dma source(%arg8 : memref<80x64xf32, #tpu.memory_space<vmem>>) target(%dma_start3A_48 : memref<80x64xf32, #tpu.memory_space<vmem_shared>>) target_semaphore(%run_scoped3A_44 : memref<!tpu.dma_semaphore, #tpu.memory_space<semaphore_mem>>)
      %dma_wait3A_49 = arith.constant 0 : i32
      %dma_wait3A_50 = tpu.memref_slice %arg10[%add3A_17, %dma_wait3A_49] : memref<10000x64xf32, #tpu.memory_space<vmem_shared>> -> memref<80x64xf32, #tpu.memory_space<vmem_shared>>
      %dma_wait3A_51 = arith.constant 0 : i32
      %dma_wait3A_52 = tpu.memref_slice %arg10[%add3A_17, %dma_wait3A_51] : memref<10000x64xf32, #tpu.memory_space<vmem_shared>> -> memref<80x64xf32, #tpu.memory_space<vmem_shared>>
      tpu.wait_dma2 semaphore(%run_scoped3A_44 : memref<!tpu.dma_semaphore, #tpu.memory_space<semaphore_mem>>) src(%arg8 : memref<80x64xf32, #tpu.memory_space<vmem>>) dst(%dma_wait3A_52 : memref<80x64xf32, #tpu.memory_space<vmem_shared>>)
      tpu.yield
    }) : () -> ()
    %add3A_18 = arith.constant 320 : i32
    %add3A_19 = arith.addi %mul3A_2, %add3A_18 : i32
    "tpu.region"() ({
      %run_scoped3A_44 = tpu.sem_alloc : memref<!tpu.dma_semaphore, #tpu.memory_space<semaphore_mem>>
      %dma_start3A_45 = arith.constant 0 : i32
      %dma_start3A_46 = tpu.memref_slice %arg10[%add3A_19, %dma_start3A_45] : memref<10000x64xf32, #tpu.memory_space<vmem_shared>> -> memref<80x64xf32, #tpu.memory_space<vmem_shared>>
      %dma_start3A_47 = arith.constant 0 : i32
      %dma_start3A_48 = tpu.memref_slice %arg10[%add3A_19, %dma_start3A_47] : memref<10000x64xf32, #tpu.memory_space<vmem_shared>> -> memref<80x64xf32, #tpu.memory_space<vmem_shared>>
      tpu.enqueue_dma source(%arg8 : memref<80x64xf32, #tpu.memory_space<vmem>>) target(%dma_start3A_48 : memref<80x64xf32, #tpu.memory_space<vmem_shared>>) target_semaphore(%run_scoped3A_44 : memref<!tpu.dma_semaphore, #tpu.memory_space<semaphore_mem>>)
      %dma_wait3A_49 = arith.constant 0 : i32
      %dma_wait3A_50 = tpu.memref_slice %arg10[%add3A_19, %dma_wait3A_49] : memref<10000x64xf32, #tpu.memory_space<vmem_shared>> -> memref<80x64xf32, #tpu.memory_space<vmem_shared>>
      %dma_wait3A_51 = arith.constant 0 : i32
      %dma_wait3A_52 = tpu.memref_slice %arg10[%add3A_19, %dma_wait3A_51] : memref<10000x64xf32, #tpu.memory_space<vmem_shared>> -> memref<80x64xf32, #tpu.memory_space<vmem_shared>>
      tpu.wait_dma2 semaphore(%run_scoped3A_44 : memref<!tpu.dma_semaphore, #tpu.memory_space<semaphore_mem>>) src(%arg8 : memref<80x64xf32, #tpu.memory_space<vmem>>) dst(%dma_wait3A_52 : memref<80x64xf32, #tpu.memory_space<vmem_shared>>)
      tpu.yield
    }) : () -> ()
    %add3A_20 = arith.constant 400 : i32
    %add3A_21 = arith.addi %mul3A_2, %add3A_20 : i32
    "tpu.region"() ({
      %run_scoped3A_44 = tpu.sem_alloc : memref<!tpu.dma_semaphore, #tpu.memory_space<semaphore_mem>>
      %dma_start3A_45 = arith.constant 0 : i32
      %dma_start3A_46 = tpu.memref_slice %arg10[%add3A_21, %dma_start3A_45] : memref<10000x64xf32, #tpu.memory_space<vmem_shared>> -> memref<80x64xf32, #tpu.memory_space<vmem_shared>>
      %dma_start3A_47 = arith.constant 0 : i32
      %dma_start3A_48 = tpu.memref_slice %arg10[%add3A_21, %dma_start3A_47] : memref<10000x64xf32, #tpu.memory_space<vmem_shared>> -> memref<80x64xf32, #tpu.memory_space<vmem_shared>>
      tpu.enqueue_dma source(%arg8 : memref<80x64xf32, #tpu.memory_space<vmem>>) target(%dma_start3A_48 : memref<80x64xf32, #tpu.memory_space<vmem_shared>>) target_semaphore(%run_scoped3A_44 : memref<!tpu.dma_semaphore, #tpu.memory_space<semaphore_mem>>)
      %dma_wait3A_49 = arith.constant 0 : i32
      %dma_wait3A_50 = tpu.memref_slice %arg10[%add3A_21, %dma_wait3A_49] : memref<10000x64xf32, #tpu.memory_space<vmem_shared>> -> memref<80x64xf32, #tpu.memory_space<vmem_shared>>
      %dma_wait3A_51 = arith.constant 0 : i32
      %dma_wait3A_52 = tpu.memref_slice %arg10[%add3A_21, %dma_wait3A_51] : memref<10000x64xf32, #tpu.memory_space<vmem_shared>> -> memref<80x64xf32, #tpu.memory_space<vmem_shared>>
      tpu.wait_dma2 semaphore(%run_scoped3A_44 : memref<!tpu.dma_semaphore, #tpu.memory_space<semaphore_mem>>) src(%arg8 : memref<80x64xf32, #tpu.memory_space<vmem>>) dst(%dma_wait3A_52 : memref<80x64xf32, #tpu.memory_space<vmem_shared>>)
      tpu.yield
    }) : () -> ()
    %add3A_22 = arith.constant 480 : i32
    %add3A_23 = arith.addi %mul3A_2, %add3A_22 : i32
    "tpu.region"() ({
      %run_scoped3A_44 = tpu.sem_alloc : memref<!tpu.dma_semaphore, #tpu.memory_space<semaphore_mem>>
      %dma_start3A_45 = arith.constant 0 : i32
      %dma_start3A_46 = tpu.memref_slice %arg10[%add3A_23, %dma_start3A_45] : memref<10000x64xf32, #tpu.memory_space<vmem_shared>> -> memref<80x64xf32, #tpu.memory_space<vmem_shared>>
      %dma_start3A_47 = arith.constant 0 : i32
      %dma_start3A_48 = tpu.memref_slice %arg10[%add3A_23, %dma_start3A_47] : memref<10000x64xf32, #tpu.memory_space<vmem_shared>> -> memref<80x64xf32, #tpu.memory_space<vmem_shared>>
      tpu.enqueue_dma source(%arg8 : memref<80x64xf32, #tpu.memory_space<vmem>>) target(%dma_start3A_48 : memref<80x64xf32, #tpu.memory_space<vmem_shared>>) target_semaphore(%run_scoped3A_44 : memref<!tpu.dma_semaphore, #tpu.memory_space<semaphore_mem>>)
      %dma_wait3A_49 = arith.constant 0 : i32
      %dma_wait3A_50 = tpu.memref_slice %arg10[%add3A_23, %dma_wait3A_49] : memref<10000x64xf32, #tpu.memory_space<vmem_shared>> -> memref<80x64xf32, #tpu.memory_space<vmem_shared>>
      %dma_wait3A_51 = arith.constant 0 : i32
      %dma_wait3A_52 = tpu.memref_slice %arg10[%add3A_23, %dma_wait3A_51] : memref<10000x64xf32, #tpu.memory_space<vmem_shared>> -> memref<80x64xf32, #tpu.memory_space<vmem_shared>>
      tpu.wait_dma2 semaphore(%run_scoped3A_44 : memref<!tpu.dma_semaphore, #tpu.memory_space<semaphore_mem>>) src(%arg8 : memref<80x64xf32, #tpu.memory_space<vmem>>) dst(%dma_wait3A_52 : memref<80x64xf32, #tpu.memory_space<vmem_shared>>)
      tpu.yield
    }) : () -> ()
    %add3A_24 = arith.constant 560 : i32
    %add3A_25 = arith.addi %mul3A_2, %add3A_24 : i32
    "tpu.region"() ({
      %run_scoped3A_44 = tpu.sem_alloc : memref<!tpu.dma_semaphore, #tpu.memory_space<semaphore_mem>>
      %dma_start3A_45 = arith.constant 0 : i32
      %dma_start3A_46 = arith.constant 0 : i32
      %dma_start3A_47 = tpu.memref_slice %arg8[%dma_start3A_45, %dma_start3A_46] : memref<80x64xf32, #tpu.memory_space<vmem>> -> memref<65x64xf32, #tpu.memory_space<vmem>>
      %dma_start3A_48 = arith.constant 0 : i32
      %dma_start3A_49 = tpu.memref_slice %arg10[%add3A_25, %dma_start3A_48] : memref<10000x64xf32, #tpu.memory_space<vmem_shared>> -> memref<65x64xf32, #tpu.memory_space<vmem_shared>>
      %dma_start3A_50 = arith.constant 0 : i32
      %dma_start3A_51 = tpu.memref_slice %arg10[%add3A_25, %dma_start3A_50] : memref<10000x64xf32, #tpu.memory_space<vmem_shared>> -> memref<65x64xf32, #tpu.memory_space<vmem_shared>>
      %dma_start3A_52 = arith.constant 0 : i32
      %dma_start3A_53 = arith.constant 0 : i32
      %dma_start3A_54 = tpu.memref_slice %arg8[%dma_start3A_52, %dma_start3A_53] : memref<80x64xf32, #tpu.memory_space<vmem>> -> memref<65x64xf32, #tpu.memory_space<vmem>>
      tpu.enqueue_dma source(%dma_start3A_54 : memref<65x64xf32, #tpu.memory_space<vmem>>) target(%dma_start3A_51 : memref<65x64xf32, #tpu.memory_space<vmem_shared>>) target_semaphore(%run_scoped3A_44 : memref<!tpu.dma_semaphore, #tpu.memory_space<semaphore_mem>>)
      %dma_wait3A_55 = arith.constant 0 : i32
      %dma_wait3A_56 = arith.constant 0 : i32
      %dma_wait3A_57 = tpu.memref_slice %arg8[%dma_wait3A_55, %dma_wait3A_56] : memref<80x64xf32, #tpu.memory_space<vmem>> -> memref<65x64xf32, #tpu.memory_space<vmem>>
      %dma_wait3A_58 = arith.constant 0 : i32
      %dma_wait3A_59 = tpu.memref_slice %arg10[%add3A_25, %dma_wait3A_58] : memref<10000x64xf32, #tpu.memory_space<vmem_shared>> -> memref<65x64xf32, #tpu.memory_space<vmem_shared>>
      %dma_wait3A_60 = arith.constant 0 : i32
      %dma_wait3A_61 = tpu.memref_slice %arg10[%add3A_25, %dma_wait3A_60] : memref<10000x64xf32, #tpu.memory_space<vmem_shared>> -> memref<65x64xf32, #tpu.memory_space<vmem_shared>>
      %dma_wait3A_62 = arith.constant 0 : i32
      %dma_wait3A_63 = arith.constant 0 : i32
      %dma_wait3A_64 = tpu.memref_slice %arg8[%dma_wait3A_62, %dma_wait3A_63] : memref<80x64xf32, #tpu.memory_space<vmem>> -> memref<65x64xf32, #tpu.memory_space<vmem>>
      tpu.wait_dma2 semaphore(%run_scoped3A_44 : memref<!tpu.dma_semaphore, #tpu.memory_space<semaphore_mem>>) src(%dma_wait3A_64 : memref<65x64xf32, #tpu.memory_space<vmem>>) dst(%dma_wait3A_61 : memref<65x64xf32, #tpu.memory_space<vmem_shared>>)
      tpu.yield
    }) : () -> ()
    "tpu.region"() ({
      %run_scoped3A_44 = tpu.sem_alloc : memref<!tpu.dma_semaphore, #tpu.memory_space<semaphore_mem>>
      %dma_start3A_45 = arith.constant 0 : i32
      %dma_start3A_46 = arith.constant 0 : i32
      %dma_start3A_47 = tpu.memref_slice %arg3[%add3A, %dma_start3A_45, %dma_start3A_46] : memref<32x125x80xi32, #tpu.memory_space<hbm>> -> memref<1x125x80xi32, #tpu.memory_space<hbm>>
      %dma_start3A_48 = tpu.memref_squeeze %dma_start3A_47 : memref<1x125x80xi32, #tpu.memory_space<hbm>> -> memref<125x80xi32, #tpu.memory_space<hbm>>
      %dma_start3A_49 = arith.constant 0 : i32
      %dma_start3A_50 = arith.constant 0 : i32
      %dma_start3A_51 = tpu.memref_slice %arg3[%add3A, %dma_start3A_49, %dma_start3A_50] : memref<32x125x80xi32, #tpu.memory_space<hbm>> -> memref<1x125x80xi32, #tpu.memory_space<hbm>>
      %dma_start3A_52 = tpu.memref_squeeze %dma_start3A_51 : memref<1x125x80xi32, #tpu.memory_space<hbm>> -> memref<125x80xi32, #tpu.memory_space<hbm>>
      tpu.enqueue_dma source(%dma_start3A_52 : memref<125x80xi32, #tpu.memory_space<hbm>>) target(%arg6 : memref<125x80xi32, #tpu.memory_space<vmem>>) target_semaphore(%run_scoped3A_44 : memref<!tpu.dma_semaphore, #tpu.memory_space<semaphore_mem>>)
      %dma_wait3A_53 = arith.constant 0 : i32
      %dma_wait3A_54 = arith.constant 0 : i32
      %dma_wait3A_55 = tpu.memref_slice %arg3[%add3A, %dma_wait3A_53, %dma_wait3A_54] : memref<32x125x80xi32, #tpu.memory_space<hbm>> -> memref<1x125x80xi32, #tpu.memory_space<hbm>>
      %dma_wait3A_56 = tpu.memref_squeeze %dma_wait3A_55 : memref<1x125x80xi32, #tpu.memory_space<hbm>> -> memref<125x80xi32, #tpu.memory_space<hbm>>
      %dma_wait3A_57 = arith.constant 0 : i32
      %dma_wait3A_58 = arith.constant 0 : i32
      %dma_wait3A_59 = tpu.memref_slice %arg3[%add3A, %dma_wait3A_57, %dma_wait3A_58] : memref<32x125x80xi32, #tpu.memory_space<hbm>> -> memref<1x125x80xi32, #tpu.memory_space<hbm>>
      %dma_wait3A_60 = tpu.memref_squeeze %dma_wait3A_59 : memref<1x125x80xi32, #tpu.memory_space<hbm>> -> memref<125x80xi32, #tpu.memory_space<hbm>>
      tpu.wait_dma2 semaphore(%run_scoped3A_44 : memref<!tpu.dma_semaphore, #tpu.memory_space<semaphore_mem>>) src(%dma_wait3A_60 : memref<125x80xi32, #tpu.memory_space<hbm>>) dst(%arg6 : memref<125x80xi32, #tpu.memory_space<vmem>>)
      tpu.yield
    }) : () -> ()
    "tpu.region"() ({
      %run_scoped3A_44 = tpu.sem_alloc : memref<!tpu.dma_semaphore, #tpu.memory_space<semaphore_mem>>
      %dma_start3A_45 = arith.constant 0 : i32
      %dma_start3A_46 = arith.constant 0 : i32
      %dma_start3A_47 = tpu.memref_slice %arg4[%add3A, %dma_start3A_45, %dma_start3A_46] : memref<32x125x80xi32, #tpu.memory_space<hbm>> -> memref<1x125x80xi32, #tpu.memory_space<hbm>>
      %dma_start3A_48 = tpu.memref_squeeze %dma_start3A_47 : memref<1x125x80xi32, #tpu.memory_space<hbm>> -> memref<125x80xi32, #tpu.memory_space<hbm>>
      %dma_start3A_49 = arith.constant 0 : i32
      %dma_start3A_50 = arith.constant 0 : i32
      %dma_start3A_51 = tpu.memref_slice %arg4[%add3A, %dma_start3A_49, %dma_start3A_50] : memref<32x125x80xi32, #tpu.memory_space<hbm>> -> memref<1x125x80xi32, #tpu.memory_space<hbm>>
      %dma_start3A_52 = tpu.memref_squeeze %dma_start3A_51 : memref<1x125x80xi32, #tpu.memory_space<hbm>> -> memref<125x80xi32, #tpu.memory_space<hbm>>
      tpu.enqueue_dma source(%dma_start3A_52 : memref<125x80xi32, #tpu.memory_space<hbm>>) target(%arg7 : memref<125x80xi32, #tpu.memory_space<vmem>>) target_semaphore(%run_scoped3A_44 : memref<!tpu.dma_semaphore, #tpu.memory_space<semaphore_mem>>)
      %dma_wait3A_53 = arith.constant 0 : i32
      %dma_wait3A_54 = arith.constant 0 : i32
      %dma_wait3A_55 = tpu.memref_slice %arg4[%add3A, %dma_wait3A_53, %dma_wait3A_54] : memref<32x125x80xi32, #tpu.memory_space<hbm>> -> memref<1x125x80xi32, #tpu.memory_space<hbm>>
      %dma_wait3A_56 = tpu.memref_squeeze %dma_wait3A_55 : memref<1x125x80xi32, #tpu.memory_space<hbm>> -> memref<125x80xi32, #tpu.memory_space<hbm>>
      %dma_wait3A_57 = arith.constant 0 : i32
      %dma_wait3A_58 = arith.constant 0 : i32
      %dma_wait3A_59 = tpu.memref_slice %arg4[%add3A, %dma_wait3A_57, %dma_wait3A_58] : memref<32x125x80xi32, #tpu.memory_space<hbm>> -> memref<1x125x80xi32, #tpu.memory_space<hbm>>
      %dma_wait3A_60 = tpu.memref_squeeze %dma_wait3A_59 : memref<1x125x80xi32, #tpu.memory_space<hbm>> -> memref<125x80xi32, #tpu.memory_space<hbm>>
      tpu.wait_dma2 semaphore(%run_scoped3A_44 : memref<!tpu.dma_semaphore, #tpu.memory_space<semaphore_mem>>) src(%dma_wait3A_60 : memref<125x80xi32, #tpu.memory_space<hbm>>) dst(%arg7 : memref<125x80xi32, #tpu.memory_space<vmem>>)
      tpu.yield
    }) : () -> ()
    %barrier3A = arith.constant 0 : index
    tpu.barrier barrier_id(%barrier3A)
    %dma_start3A = arith.constant 0 : i32
    %dma_start3A_26 = arith.constant 0 : i32
    %dma_start3A_27 = tpu.memref_slice %arg6[%dma_start3A, %dma_start3A_26] : memref<125x80xi32, #tpu.memory_space<vmem>> -> memref<1x80xi32, #tpu.memory_space<vmem>>
    %dma_start3A_28 = tpu.memref_squeeze %dma_start3A_27 : memref<1x80xi32, #tpu.memory_space<vmem>> -> memref<80xi32, #tpu.memory_space<vmem>>
    %dma_start3A_29 = arith.constant 0 : i32
    %dma_start3A_30 = arith.constant 0 : i32
    %dma_start3A_31 = tpu.memref_slice %arg2[%dma_start3A_29, %dma_start3A_30] : memref<10000x64xf32, #tpu.memory_space<hbm>> -> memref<10000x64xf32, #tpu.memory_space<hbm>>
    tpu.enqueue_indirect_dma source(%dma_start3A_31 : memref<10000x64xf32, #tpu.memory_space<hbm>>) target(%arg8 : memref<80x64xf32, #tpu.memory_space<vmem>>) offsets(%dma_start3A_28 : memref<80xi32, #tpu.memory_space<vmem>>) semaphore(%arg11 : memref<!tpu.dma_semaphore, #tpu.memory_space<semaphore_mem>>)
    %scan3A_32 = arith.constant 0 : i32
    %scan3A_33 = arith.constant 62 : i32
    %scan3A_34 = arith.addi %scan3A_32, %scan3A_33 : i32
    %scan3A_35 = arith.constant 1 : i32
    scf.for %scan3A_44 = %scan3A_32 to %scan3A_34 step %scan3A_35  : i32 {
      %mul3A_45 = arith.constant 1 : i32
      %mul3A_46 = arith.muli %scan3A_44, %mul3A_45 : i32
      %add3A_47 = arith.constant 0 : i32
      %add3A_48 = arith.addi %add3A_47, %mul3A_46 : i32
      %mul3A_49 = arith.constant 2 : i32
      %mul3A_50 = arith.muli %mul3A_49, %add3A_48 : i32
      %add3A_51 = arith.constant 1 : i32
      %add3A_52 = arith.addi %mul3A_50, %add3A_51 : i32
      %dma_start3A_53 = arith.constant 0 : i32
      %dma_start3A_54 = tpu.memref_slice %arg6[%add3A_52, %dma_start3A_53] : memref<125x80xi32, #tpu.memory_space<vmem>> -> memref<1x80xi32, #tpu.memory_space<vmem>>
      %dma_start3A_55 = tpu.memref_squeeze %dma_start3A_54 : memref<1x80xi32, #tpu.memory_space<vmem>> -> memref<80xi32, #tpu.memory_space<vmem>>
      %dma_start3A_56 = arith.constant 0 : i32
      %dma_start3A_57 = arith.constant 0 : i32
      %dma_start3A_58 = tpu.memref_slice %arg2[%dma_start3A_56, %dma_start3A_57] : memref<10000x64xf32, #tpu.memory_space<hbm>> -> memref<10000x64xf32, #tpu.memory_space<hbm>>
      tpu.enqueue_indirect_dma source(%dma_start3A_58 : memref<10000x64xf32, #tpu.memory_space<hbm>>) target(%arg9 : memref<80x64xf32, #tpu.memory_space<vmem>>) offsets(%dma_start3A_55 : memref<80xi32, #tpu.memory_space<vmem>>) semaphore(%arg12 : memref<!tpu.dma_semaphore, #tpu.memory_space<semaphore_mem>>)
      %dma_wait3A_59 = arith.constant 0 : i32
      %dma_wait3A_60 = tpu.memref_slice %arg6[%mul3A_50, %dma_wait3A_59] : memref<125x80xi32, #tpu.memory_space<vmem>> -> memref<1x80xi32, #tpu.memory_space<vmem>>
      %dma_wait3A_61 = tpu.memref_squeeze %dma_wait3A_60 : memref<1x80xi32, #tpu.memory_space<vmem>> -> memref<80xi32, #tpu.memory_space<vmem>>
      %dma_wait3A_62 = arith.constant 0 : i32
      %dma_wait3A_63 = arith.constant 0 : i32
      %dma_wait3A_64 = tpu.memref_slice %arg2[%dma_wait3A_62, %dma_wait3A_63] : memref<10000x64xf32, #tpu.memory_space<hbm>> -> memref<10000x64xf32, #tpu.memory_space<hbm>>
      tpu.wait_indirect_dma semaphore(%arg11 : memref<!tpu.dma_semaphore, #tpu.memory_space<semaphore_mem>>) src(%dma_wait3A_64 : memref<10000x64xf32, #tpu.memory_space<hbm>>) dst(%arg8 : memref<80x64xf32, #tpu.memory_space<vmem>>)
      "tpu.region"() ({
        %run_scoped3A_83 = tpu.sem_alloc : memref<!tpu.dma_semaphore, #tpu.memory_space<semaphore_mem>>
        %dma_start3A_84 = arith.constant 0 : i32
        %dma_start3A_85 = tpu.memref_slice %arg7[%mul3A_50, %dma_start3A_84] : memref<125x80xi32, #tpu.memory_space<vmem>> -> memref<1x80xi32, #tpu.memory_space<vmem>>
        %dma_start3A_86 = tpu.memref_squeeze %dma_start3A_85 : memref<1x80xi32, #tpu.memory_space<vmem>> -> memref<80xi32, #tpu.memory_space<vmem>>
        %dma_start3A_87 = arith.constant 0 : i32
        %dma_start3A_88 = arith.constant 0 : i32
        %dma_start3A_89 = tpu.memref_slice %arg10[%dma_start3A_87, %dma_start3A_88] : memref<10000x64xf32, #tpu.memory_space<vmem_shared>> -> memref<10000x64xf32, #tpu.memory_space<vmem_shared>>
        tpu.enqueue_indirect_dma source(%arg8 : memref<80x64xf32, #tpu.memory_space<vmem>>) target(%dma_start3A_89 : memref<10000x64xf32, #tpu.memory_space<vmem_shared>>) offsets(%dma_start3A_86 : memref<80xi32, #tpu.memory_space<vmem>>) semaphore(%run_scoped3A_83 : memref<!tpu.dma_semaphore, #tpu.memory_space<semaphore_mem>>) {add = true}
        %dma_wait3A_90 = arith.constant 0 : i32
        %dma_wait3A_91 = tpu.memref_slice %arg7[%mul3A_50, %dma_wait3A_90] : memref<125x80xi32, #tpu.memory_space<vmem>> -> memref<1x80xi32, #tpu.memory_space<vmem>>
        %dma_wait3A_92 = tpu.memref_squeeze %dma_wait3A_91 : memref<1x80xi32, #tpu.memory_space<vmem>> -> memref<80xi32, #tpu.memory_space<vmem>>
        %dma_wait3A_93 = arith.constant 0 : i32
        %dma_wait3A_94 = arith.constant 0 : i32
        %dma_wait3A_95 = tpu.memref_slice %arg10[%dma_wait3A_93, %dma_wait3A_94] : memref<10000x64xf32, #tpu.memory_space<vmem_shared>> -> memref<10000x64xf32, #tpu.memory_space<vmem_shared>>
        tpu.wait_indirect_dma semaphore(%run_scoped3A_83 : memref<!tpu.dma_semaphore, #tpu.memory_space<semaphore_mem>>) src(%arg8 : memref<80x64xf32, #tpu.memory_space<vmem>>) dst(%dma_wait3A_95 : memref<10000x64xf32, #tpu.memory_space<vmem_shared>>)
        tpu.yield
      }) : () -> ()
      %add3A_65 = arith.constant 2 : i32
      %add3A_66 = arith.addi %mul3A_50, %add3A_65 : i32
      %dma_start3A_67 = arith.constant 0 : i32
      %dma_start3A_68 = tpu.memref_slice %arg6[%add3A_66, %dma_start3A_67] : memref<125x80xi32, #tpu.memory_space<vmem>> -> memref<1x80xi32, #tpu.memory_space<vmem>>
      %dma_start3A_69 = tpu.memref_squeeze %dma_start3A_68 : memref<1x80xi32, #tpu.memory_space<vmem>> -> memref<80xi32, #tpu.memory_space<vmem>>
      %dma_start3A_70 = arith.constant 0 : i32
      %dma_start3A_71 = arith.constant 0 : i32
      %dma_start3A_72 = tpu.memref_slice %arg2[%dma_start3A_70, %dma_start3A_71] : memref<10000x64xf32, #tpu.memory_space<hbm>> -> memref<10000x64xf32, #tpu.memory_space<hbm>>
      tpu.enqueue_indirect_dma source(%dma_start3A_72 : memref<10000x64xf32, #tpu.memory_space<hbm>>) target(%arg8 : memref<80x64xf32, #tpu.memory_space<vmem>>) offsets(%dma_start3A_69 : memref<80xi32, #tpu.memory_space<vmem>>) semaphore(%arg11 : memref<!tpu.dma_semaphore, #tpu.memory_space<semaphore_mem>>)
      %add3A_73 = arith.constant 1 : i32
      %add3A_74 = arith.addi %mul3A_50, %add3A_73 : i32
      %dma_wait3A_75 = arith.constant 0 : i32
      %dma_wait3A_76 = tpu.memref_slice %arg6[%add3A_74, %dma_wait3A_75] : memref<125x80xi32, #tpu.memory_space<vmem>> -> memref<1x80xi32, #tpu.memory_space<vmem>>
      %dma_wait3A_77 = tpu.memref_squeeze %dma_wait3A_76 : memref<1x80xi32, #tpu.memory_space<vmem>> -> memref<80xi32, #tpu.memory_space<vmem>>
      %dma_wait3A_78 = arith.constant 0 : i32
      %dma_wait3A_79 = arith.constant 0 : i32
      %dma_wait3A_80 = tpu.memref_slice %arg2[%dma_wait3A_78, %dma_wait3A_79] : memref<10000x64xf32, #tpu.memory_space<hbm>> -> memref<10000x64xf32, #tpu.memory_space<hbm>>
      tpu.wait_indirect_dma semaphore(%arg12 : memref<!tpu.dma_semaphore, #tpu.memory_space<semaphore_mem>>) src(%dma_wait3A_80 : memref<10000x64xf32, #tpu.memory_space<hbm>>) dst(%arg9 : memref<80x64xf32, #tpu.memory_space<vmem>>)
      %add3A_81 = arith.constant 1 : i32
      %add3A_82 = arith.addi %mul3A_50, %add3A_81 : i32
      "tpu.region"() ({
        %run_scoped3A_83 = tpu.sem_alloc : memref<!tpu.dma_semaphore, #tpu.memory_space<semaphore_mem>>
        %dma_start3A_84 = arith.constant 0 : i32
        %dma_start3A_85 = tpu.memref_slice %arg7[%add3A_82, %dma_start3A_84] : memref<125x80xi32, #tpu.memory_space<vmem>> -> memref<1x80xi32, #tpu.memory_space<vmem>>
        %dma_start3A_86 = tpu.memref_squeeze %dma_start3A_85 : memref<1x80xi32, #tpu.memory_space<vmem>> -> memref<80xi32, #tpu.memory_space<vmem>>
        %dma_start3A_87 = arith.constant 0 : i32
        %dma_start3A_88 = arith.constant 0 : i32
        %dma_start3A_89 = tpu.memref_slice %arg10[%dma_start3A_87, %dma_start3A_88] : memref<10000x64xf32, #tpu.memory_space<vmem_shared>> -> memref<10000x64xf32, #tpu.memory_space<vmem_shared>>
        tpu.enqueue_indirect_dma source(%arg9 : memref<80x64xf32, #tpu.memory_space<vmem>>) target(%dma_start3A_89 : memref<10000x64xf32, #tpu.memory_space<vmem_shared>>) offsets(%dma_start3A_86 : memref<80xi32, #tpu.memory_space<vmem>>) semaphore(%run_scoped3A_83 : memref<!tpu.dma_semaphore, #tpu.memory_space<semaphore_mem>>) {add = true}
        %dma_wait3A_90 = arith.constant 0 : i32
        %dma_wait3A_91 = tpu.memref_slice %arg7[%add3A_82, %dma_wait3A_90] : memref<125x80xi32, #tpu.memory_space<vmem>> -> memref<1x80xi32, #tpu.memory_space<vmem>>
        %dma_wait3A_92 = tpu.memref_squeeze %dma_wait3A_91 : memref<1x80xi32, #tpu.memory_space<vmem>> -> memref<80xi32, #tpu.memory_space<vmem>>
        %dma_wait3A_93 = arith.constant 0 : i32
        %dma_wait3A_94 = arith.constant 0 : i32
        %dma_wait3A_95 = tpu.memref_slice %arg10[%dma_wait3A_93, %dma_wait3A_94] : memref<10000x64xf32, #tpu.memory_space<vmem_shared>> -> memref<10000x64xf32, #tpu.memory_space<vmem_shared>>
        tpu.wait_indirect_dma semaphore(%run_scoped3A_83 : memref<!tpu.dma_semaphore, #tpu.memory_space<semaphore_mem>>) src(%arg9 : memref<80x64xf32, #tpu.memory_space<vmem>>) dst(%dma_wait3A_95 : memref<10000x64xf32, #tpu.memory_space<vmem_shared>>)
        tpu.yield
      }) : () -> ()
    }
    %scan3A_36 = arith.constant 62 : i32
    %dma_wait3A = arith.constant 124 : i32
    %dma_wait3A_37 = arith.constant 0 : i32
    %dma_wait3A_38 = tpu.memref_slice %arg6[%dma_wait3A, %dma_wait3A_37] : memref<125x80xi32, #tpu.memory_space<vmem>> -> memref<1x80xi32, #tpu.memory_space<vmem>>
    %dma_wait3A_39 = tpu.memref_squeeze %dma_wait3A_38 : memref<1x80xi32, #tpu.memory_space<vmem>> -> memref<80xi32, #tpu.memory_space<vmem>>
    %dma_wait3A_40 = arith.constant 0 : i32
    %dma_wait3A_41 = arith.constant 0 : i32
    %dma_wait3A_42 = tpu.memref_slice %arg2[%dma_wait3A_40, %dma_wait3A_41] : memref<10000x64xf32, #tpu.memory_space<hbm>> -> memref<10000x64xf32, #tpu.memory_space<hbm>>
    tpu.wait_indirect_dma semaphore(%arg11 : memref<!tpu.dma_semaphore, #tpu.memory_space<semaphore_mem>>) src(%dma_wait3A_42 : memref<10000x64xf32, #tpu.memory_space<hbm>>) dst(%arg8 : memref<80x64xf32, #tpu.memory_space<vmem>>)
    %run_scoped3A = arith.constant 124 : i32
    "tpu.region"() ({
      %run_scoped3A_44 = tpu.sem_alloc : memref<!tpu.dma_semaphore, #tpu.memory_space<semaphore_mem>>
      %dma_start3A_45 = arith.constant 0 : i32
      %dma_start3A_46 = tpu.memref_slice %arg7[%run_scoped3A, %dma_start3A_45] : memref<125x80xi32, #tpu.memory_space<vmem>> -> memref<1x80xi32, #tpu.memory_space<vmem>>
      %dma_start3A_47 = tpu.memref_squeeze %dma_start3A_46 : memref<1x80xi32, #tpu.memory_space<vmem>> -> memref<80xi32, #tpu.memory_space<vmem>>
      %dma_start3A_48 = arith.constant 0 : i32
      %dma_start3A_49 = arith.constant 0 : i32
      %dma_start3A_50 = tpu.memref_slice %arg10[%dma_start3A_48, %dma_start3A_49] : memref<10000x64xf32, #tpu.memory_space<vmem_shared>> -> memref<10000x64xf32, #tpu.memory_space<vmem_shared>>
      tpu.enqueue_indirect_dma source(%arg8 : memref<80x64xf32, #tpu.memory_space<vmem>>) target(%dma_start3A_50 : memref<10000x64xf32, #tpu.memory_space<vmem_shared>>) offsets(%dma_start3A_47 : memref<80xi32, #tpu.memory_space<vmem>>) semaphore(%run_scoped3A_44 : memref<!tpu.dma_semaphore, #tpu.memory_space<semaphore_mem>>) {add = true}
      %dma_wait3A_51 = arith.constant 0 : i32
      %dma_wait3A_52 = tpu.memref_slice %arg7[%run_scoped3A, %dma_wait3A_51] : memref<125x80xi32, #tpu.memory_space<vmem>> -> memref<1x80xi32, #tpu.memory_space<vmem>>
      %dma_wait3A_53 = tpu.memref_squeeze %dma_wait3A_52 : memref<1x80xi32, #tpu.memory_space<vmem>> -> memref<80xi32, #tpu.memory_space<vmem>>
      %dma_wait3A_54 = arith.constant 0 : i32
      %dma_wait3A_55 = arith.constant 0 : i32
      %dma_wait3A_56 = tpu.memref_slice %arg10[%dma_wait3A_54, %dma_wait3A_55] : memref<10000x64xf32, #tpu.memory_space<vmem_shared>> -> memref<10000x64xf32, #tpu.memory_space<vmem_shared>>
      tpu.wait_indirect_dma semaphore(%run_scoped3A_44 : memref<!tpu.dma_semaphore, #tpu.memory_space<semaphore_mem>>) src(%arg8 : memref<80x64xf32, #tpu.memory_space<vmem>>) dst(%dma_wait3A_56 : memref<10000x64xf32, #tpu.memory_space<vmem_shared>>)
      tpu.yield
    }) : () -> ()
    %barrier3A_43 = arith.constant 0 : index
    tpu.barrier barrier_id(%barrier3A_43)
    "tpu.region"() ({
      %run_scoped3A_44 = tpu.sem_alloc : memref<!tpu.dma_semaphore, #tpu.memory_space<semaphore_mem>>
      %dma_start3A_45 = arith.constant 0 : i32
      %dma_start3A_46 = tpu.memref_slice %arg5[%arg0, %mul3A_2, %dma_start3A_45] : memref<2x10000x64xf32, #tpu.memory_space<hbm>> -> memref<1x625x64xf32, #tpu.memory_space<hbm>>
      %dma_start3A_47 = tpu.memref_squeeze %dma_start3A_46 : memref<1x625x64xf32, #tpu.memory_space<hbm>> -> memref<625x64xf32, #tpu.memory_space<hbm>>
      %dma_start3A_48 = arith.constant 0 : i32
      %dma_start3A_49 = tpu.memref_slice %arg10[%mul3A_2, %dma_start3A_48] : memref<10000x64xf32, #tpu.memory_space<vmem_shared>> -> memref<625x64xf32, #tpu.memory_space<vmem_shared>>
      tpu.enqueue_dma source(%dma_start3A_49 : memref<625x64xf32, #tpu.memory_space<vmem_shared>>) target(%dma_start3A_47 : memref<625x64xf32, #tpu.memory_space<hbm>>) target_semaphore(%run_scoped3A_44 : memref<!tpu.dma_semaphore, #tpu.memory_space<semaphore_mem>>)
      %dma_wait3A_50 = arith.constant 0 : i32
      %dma_wait3A_51 = tpu.memref_slice %arg5[%arg0, %mul3A_2, %dma_wait3A_50] : memref<2x10000x64xf32, #tpu.memory_space<hbm>> -> memref<1x625x64xf32, #tpu.memory_space<hbm>>
      %dma_wait3A_52 = tpu.memref_squeeze %dma_wait3A_51 : memref<1x625x64xf32, #tpu.memory_space<hbm>> -> memref<625x64xf32, #tpu.memory_space<hbm>>
      %dma_wait3A_53 = arith.constant 0 : i32
      %dma_wait3A_54 = tpu.memref_slice %arg10[%mul3A_2, %dma_wait3A_53] : memref<10000x64xf32, #tpu.memory_space<vmem_shared>> -> memref<625x64xf32, #tpu.memory_space<vmem_shared>>
      tpu.wait_dma2 semaphore(%run_scoped3A_44 : memref<!tpu.dma_semaphore, #tpu.memory_space<semaphore_mem>>) src(%dma_wait3A_54 : memref<625x64xf32, #tpu.memory_space<vmem_shared>>) dst(%dma_wait3A_52 : memref<625x64xf32, #tpu.memory_space<hbm>>)
      tpu.yield
    }) : () -> ()
    return
  }
}

module attributes {stable_mosaic.version = 14 : i64} {
  func.func @body(%arg0: i32, %arg1: memref<2000x128xf32, #tpu.memory_space<vmem>>, %arg2: memref<2x2000x128xf32, #tpu.memory_space<vmem>>, %arg3: memref<1x32x2000xf32, #tpu.memory_space<vmem>>, %arg4: memref<128x128xf32, #tpu.memory_space<vmem>>, %arg5: memref<128x128xf32, #tpu.memory_space<vmem>>, %arg6: memref<1x128xf32, #tpu.memory_space<vmem>>, %arg7: memref<128x64xf32, #tpu.memory_space<vmem>>, %arg8: memref<128x64xf32, #tpu.memory_space<vmem>>, %arg9: memref<2000x64xf32, #tpu.memory_space<vmem>>, %arg10: memref<2000x64xf32, #tpu.memory_space<vmem>>) attributes {dimension_semantics = [#tpu.dimension_semantics<arbitrary>], iteration_bounds = array<i64: 5>, scalar_prefetch = 0 : i64, scratch_operands = 0 : i64, tpu.core_type = #tpu.core_type<tc>, window_params = [{transform_indices = @transform_0, window_bounds = array<i64: 2000, 128>}, {transform_indices = @transform_1, window_bounds = array<i64: 2, 2000, 128>}, {transform_indices = @transform_2, window_bounds = array<i64: 1, 32, 2000>}, {pipeline_mode = #tpu.pipeline_mode<synchronous>, transform_indices = @transform_3, window_bounds = array<i64: 128, 128>}, {pipeline_mode = #tpu.pipeline_mode<synchronous>, transform_indices = @transform_4, window_bounds = array<i64: 128, 128>}, {pipeline_mode = #tpu.pipeline_mode<synchronous>, transform_indices = @transform_5, window_bounds = array<i64: 1, 128>}, {pipeline_mode = #tpu.pipeline_mode<synchronous>, transform_indices = @transform_6, window_bounds = array<i64: 128, 64>}, {pipeline_mode = #tpu.pipeline_mode<synchronous>, transform_indices = @transform_7, window_bounds = array<i64: 128, 64>}, {transform_indices = @transform_8, window_bounds = array<i64: 2000, 64>}, {transform_indices = @transform_9, window_bounds = array<i64: 2000, 64>}]} {
    %get3A = arith.constant 0 : index
    %get3A_0 = arith.constant 0 : index
    %get3A_1 = arith.constant 0 : index
    %get3A_2 = vector.load %arg2[%get3A, %get3A_0, %get3A_1] : memref<2x2000x128xf32, #tpu.memory_space<vmem>>, vector<1x2000x128xf32>
    %get3A_3 = vector.shape_cast %get3A_2 : vector<1x2000x128xf32> to vector<2000x128xf32>
    %get3A_4 = arith.constant 1 : index
    %get3A_5 = arith.constant 0 : index
    %get3A_6 = arith.constant 0 : index
    %get3A_7 = vector.load %arg2[%get3A_4, %get3A_5, %get3A_6] : memref<2x2000x128xf32, #tpu.memory_space<vmem>>, vector<1x2000x128xf32>
    %get3A_8 = vector.shape_cast %get3A_7 : vector<1x2000x128xf32> to vector<2000x128xf32>
    %add3A = arith.addf %get3A_3, %get3A_8 : vector<2000x128xf32>
    %get3A_9 = arith.constant 0 : index
    %get3A_10 = arith.constant 0 : index
    %get3A_11 = arith.constant 0 : index
    %get3A_12 = vector.load %arg3[%get3A_9, %get3A_10, %get3A_11] : memref<1x32x2000xf32, #tpu.memory_space<vmem>>, vector<1x32x2000xf32>
    %get3A_13 = vector.shape_cast %get3A_12 : vector<1x32x2000xf32> to vector<32x2000xf32>
    %reduce_sum3A = arith.constant dense<0.000000e+00> : vector<2000xf32>
    %reduce_sum3A_14 = vector.multi_reduction <add>, %get3A_13, %reduce_sum3A [0] : vector<32x2000xf32> to vector<2000xf32>
    %broadcast_in_dim3A = vector.shape_cast %reduce_sum3A_14 : vector<2000xf32> to vector<2000x1xf32>
    %max3A = arith.constant 1.000000e+00 : f32
    %max3A_15 = vector.broadcast %max3A : f32 to vector<2000x1xf32>
    %max3A_16 = arith.maximumf %broadcast_in_dim3A, %max3A_15 : vector<2000x1xf32>
    %div3A = vector.broadcast %max3A_16 : vector<2000x1xf32> to vector<2000x128xf32>
    %div3A_17 = arith.divf %add3A, %div3A : vector<2000x128xf32>
    %get3A_18 = arith.constant 0 : index
    %get3A_19 = arith.constant 0 : index
    %get3A_20 = vector.load %arg1[%get3A_18, %get3A_19] : memref<2000x128xf32, #tpu.memory_space<vmem>>, vector<2000x128xf32>
    %get3A_21 = arith.constant 0 : index
    %get3A_22 = arith.constant 0 : index
    %get3A_23 = vector.load %arg4[%get3A_21, %get3A_22] : memref<128x128xf32, #tpu.memory_space<vmem>>, vector<128x128xf32>
    %dot_general3A = arith.constant dense<0.000000e+00> : vector<2000x128xf32>
    %dot_general3A_24 = tpu.matmul %get3A_20, %get3A_23, %dot_general3A {dimension_numbers = #tpu.dot_dimension_numbers<[1], [0], [0], [1], [0, 0, 1, 1], [], []>, transpose_lhs_hint = false} : vector<2000x128xf32>, vector<128x128xf32>, vector<2000x128xf32> -> vector<2000x128xf32>
    %get3A_25 = arith.constant 0 : index
    %get3A_26 = arith.constant 0 : index
    %get3A_27 = vector.load %arg5[%get3A_25, %get3A_26] : memref<128x128xf32, #tpu.memory_space<vmem>>, vector<128x128xf32>
    %dot_general3A_28 = arith.constant dense<0.000000e+00> : vector<2000x128xf32>
    %dot_general3A_29 = tpu.matmul %div3A_17, %get3A_27, %dot_general3A_28 {dimension_numbers = #tpu.dot_dimension_numbers<[1], [0], [0], [1], [0, 0, 1, 1], [], []>, transpose_lhs_hint = false} : vector<2000x128xf32>, vector<128x128xf32>, vector<2000x128xf32> -> vector<2000x128xf32>
    %add3A_30 = arith.addf %dot_general3A_24, %dot_general3A_29 : vector<2000x128xf32>
    %get3A_31 = arith.constant 0 : index
    %get3A_32 = arith.constant 0 : index
    %get3A_33 = vector.load %arg6[%get3A_31, %get3A_32] : memref<1x128xf32, #tpu.memory_space<vmem>>, vector<1x128xf32>
    %add3A_34 = vector.broadcast %get3A_33 : vector<1x128xf32> to vector<2000x128xf32>
    %add3A_35 = arith.addf %add3A_30, %add3A_34 : vector<2000x128xf32>
    %max3A_36 = arith.constant 0.000000e+00 : f32
    %max3A_37 = vector.broadcast %max3A_36 : f32 to vector<2000x128xf32>
    %max3A_38 = arith.maximumf %add3A_35, %max3A_37 : vector<2000x128xf32>
    %get3A_39 = arith.constant 0 : index
    %get3A_40 = arith.constant 0 : index
    %get3A_41 = vector.load %arg8[%get3A_39, %get3A_40] : memref<128x64xf32, #tpu.memory_space<vmem>>, vector<128x64xf32>
    %dot_general3A_42 = arith.constant dense<0.000000e+00> : vector<2000x64xf32>
    %dot_general3A_43 = tpu.matmul %max3A_38, %get3A_41, %dot_general3A_42 {dimension_numbers = #tpu.dot_dimension_numbers<[1], [0], [0], [1], [0, 0, 1, 1], [], []>, transpose_lhs_hint = false} : vector<2000x128xf32>, vector<128x64xf32>, vector<2000x64xf32> -> vector<2000x64xf32>
    %swap3A = arith.constant 0 : index
    %swap3A_44 = arith.constant 0 : index
    %swap3A_45 = vector.load %arg9[%swap3A, %swap3A_44] : memref<2000x64xf32, #tpu.memory_space<vmem>>, vector<2000x64xf32>
    tpu.vector_store %arg9[%swap3A, %swap3A_44], %dot_general3A_43 {strides = array<i32>} : memref<2000x64xf32, #tpu.memory_space<vmem>>, vector<2000x64xf32>,
    %get3A_46 = arith.constant 0 : index
    %get3A_47 = arith.constant 0 : index
    %get3A_48 = vector.load %arg7[%get3A_46, %get3A_47] : memref<128x64xf32, #tpu.memory_space<vmem>>, vector<128x64xf32>
    %dot_general3A_49 = arith.constant dense<0.000000e+00> : vector<2000x64xf32>
    %dot_general3A_50 = tpu.matmul %max3A_38, %get3A_48, %dot_general3A_49 {dimension_numbers = #tpu.dot_dimension_numbers<[1], [0], [0], [1], [0, 0, 1, 1], [], []>, transpose_lhs_hint = false} : vector<2000x128xf32>, vector<128x64xf32>, vector<2000x64xf32> -> vector<2000x64xf32>
    %swap3A_51 = arith.constant 0 : index
    %swap3A_52 = arith.constant 0 : index
    %swap3A_53 = vector.load %arg10[%swap3A_51, %swap3A_52] : memref<2000x64xf32, #tpu.memory_space<vmem>>, vector<2000x64xf32>
    tpu.vector_store %arg10[%swap3A_51, %swap3A_52], %dot_general3A_50 {strides = array<i32>} : memref<2000x64xf32, #tpu.memory_space<vmem>>, vector<2000x64xf32>,
    return
  }
  func.func @transform_0(%arg0: i32) -> (i32, i32) {
    %c0_i32 = arith.constant 0 : i32
    %c0_i32_0 = arith.constant 0 : i32
    return %arg0, %c0_i32 : i32, i32
  }
  func.func @transform_1(%arg0: i32) -> (i32, i32, i32) {
    %c0_i32 = arith.constant 0 : i32
    %c0_i32_0 = arith.constant 0 : i32
    %c0_i32_1 = arith.constant 0 : i32
    return %c0_i32, %arg0, %c0_i32_0 : i32, i32, i32
  }
  func.func @transform_2(%arg0: i32) -> (i32, i32, i32) {
    %c0_i32 = arith.constant 0 : i32
    %c0_i32_0 = arith.constant 0 : i32
    %c0_i32_1 = arith.constant 0 : i32
    return %arg0, %c0_i32, %c0_i32_0 : i32, i32, i32
  }
  func.func @transform_3(%arg0: i32) -> (i32, i32) {
    %c0_i32 = arith.constant 0 : i32
    %c0_i32_0 = arith.constant 0 : i32
    %c0_i32_1 = arith.constant 0 : i32
    return %c0_i32, %c0_i32_0 : i32, i32
  }
  func.func @transform_4(%arg0: i32) -> (i32, i32) {
    %c0_i32 = arith.constant 0 : i32
    %c0_i32_0 = arith.constant 0 : i32
    %c0_i32_1 = arith.constant 0 : i32
    return %c0_i32, %c0_i32_0 : i32, i32
  }
  func.func @transform_5(%arg0: i32) -> (i32, i32) {
    %c0_i32 = arith.constant 0 : i32
    %c0_i32_0 = arith.constant 0 : i32
    %c0_i32_1 = arith.constant 0 : i32
    return %c0_i32, %c0_i32_0 : i32, i32
  }
  func.func @transform_6(%arg0: i32) -> (i32, i32) {
    %c0_i32 = arith.constant 0 : i32
    %c0_i32_0 = arith.constant 0 : i32
    %c0_i32_1 = arith.constant 0 : i32
    return %c0_i32, %c0_i32_0 : i32, i32
  }
  func.func @transform_7(%arg0: i32) -> (i32, i32) {
    %c0_i32 = arith.constant 0 : i32
    %c0_i32_0 = arith.constant 0 : i32
    %c0_i32_1 = arith.constant 0 : i32
    return %c0_i32, %c0_i32_0 : i32, i32
  }
  func.func @transform_8(%arg0: i32) -> (i32, i32) {
    %c0_i32 = arith.constant 0 : i32
    %c0_i32_0 = arith.constant 0 : i32
    return %arg0, %c0_i32 : i32, i32
  }
  func.func @transform_9(%arg0: i32) -> (i32, i32) {
    %c0_i32 = arith.constant 0 : i32
    %c0_i32_0 = arith.constant 0 : i32
    return %arg0, %c0_i32 : i32, i32
  }
}

module attributes {stable_mosaic.version = 14 : i64} {
  func.func @body(%arg0: i32, %arg1: memref<2000x64xf32, #tpu.memory_space<vmem>>, %arg2: memref<2x2000x64xf32, #tpu.memory_space<vmem>>, %arg3: memref<1x32x2000xf32, #tpu.memory_space<vmem>>, %arg4: memref<1x64xf32, #tpu.memory_space<vmem>>, %arg5: memref<2000x64xf32, #tpu.memory_space<vmem>>) attributes {dimension_semantics = [#tpu.dimension_semantics<arbitrary>], iteration_bounds = array<i64: 5>, scalar_prefetch = 0 : i64, scratch_operands = 0 : i64, tpu.core_type = #tpu.core_type<tc>, window_params = [{transform_indices = @transform_0, window_bounds = array<i64: 2000, 64>}, {transform_indices = @transform_1, window_bounds = array<i64: 2, 2000, 64>}, {transform_indices = @transform_2, window_bounds = array<i64: 1, 32, 2000>}, {pipeline_mode = #tpu.pipeline_mode<synchronous>, transform_indices = @transform_3, window_bounds = array<i64: 1, 64>}, {transform_indices = @transform_4, window_bounds = array<i64: 2000, 64>}]} {
    %get3A = arith.constant 0 : index
    %get3A_0 = arith.constant 0 : index
    %get3A_1 = arith.constant 0 : index
    %get3A_2 = vector.load %arg2[%get3A, %get3A_0, %get3A_1] : memref<2x2000x64xf32, #tpu.memory_space<vmem>>, vector<1x2000x64xf32>
    %get3A_3 = vector.shape_cast %get3A_2 : vector<1x2000x64xf32> to vector<2000x64xf32>
    %get3A_4 = arith.constant 1 : index
    %get3A_5 = arith.constant 0 : index
    %get3A_6 = arith.constant 0 : index
    %get3A_7 = vector.load %arg2[%get3A_4, %get3A_5, %get3A_6] : memref<2x2000x64xf32, #tpu.memory_space<vmem>>, vector<1x2000x64xf32>
    %get3A_8 = vector.shape_cast %get3A_7 : vector<1x2000x64xf32> to vector<2000x64xf32>
    %add3A = arith.addf %get3A_3, %get3A_8 : vector<2000x64xf32>
    %get3A_9 = arith.constant 0 : index
    %get3A_10 = arith.constant 0 : index
    %get3A_11 = arith.constant 0 : index
    %get3A_12 = vector.load %arg3[%get3A_9, %get3A_10, %get3A_11] : memref<1x32x2000xf32, #tpu.memory_space<vmem>>, vector<1x32x2000xf32>
    %get3A_13 = vector.shape_cast %get3A_12 : vector<1x32x2000xf32> to vector<32x2000xf32>
    %reduce_sum3A = arith.constant dense<0.000000e+00> : vector<2000xf32>
    %reduce_sum3A_14 = vector.multi_reduction <add>, %get3A_13, %reduce_sum3A [0] : vector<32x2000xf32> to vector<2000xf32>
    %broadcast_in_dim3A = vector.shape_cast %reduce_sum3A_14 : vector<2000xf32> to vector<2000x1xf32>
    %get3A_15 = arith.constant 0 : index
    %get3A_16 = arith.constant 0 : index
    %get3A_17 = vector.load %arg1[%get3A_15, %get3A_16] : memref<2000x64xf32, #tpu.memory_space<vmem>>, vector<2000x64xf32>
    %max3A = arith.constant 1.000000e+00 : f32
    %max3A_18 = vector.broadcast %max3A : f32 to vector<2000x1xf32>
    %max3A_19 = arith.maximumf %broadcast_in_dim3A, %max3A_18 : vector<2000x1xf32>
    %div3A = vector.broadcast %max3A_19 : vector<2000x1xf32> to vector<2000x64xf32>
    %div3A_20 = arith.divf %add3A, %div3A : vector<2000x64xf32>
    %add3A_21 = arith.addf %get3A_17, %div3A_20 : vector<2000x64xf32>
    %get3A_22 = arith.constant 0 : index
    %get3A_23 = arith.constant 0 : index
    %get3A_24 = vector.load %arg4[%get3A_22, %get3A_23] : memref<1x64xf32, #tpu.memory_space<vmem>>, vector<1x64xf32>
    %add3A_25 = vector.broadcast %get3A_24 : vector<1x64xf32> to vector<2000x64xf32>
    %add3A_26 = arith.addf %add3A_21, %add3A_25 : vector<2000x64xf32>
    %swap3A = arith.constant 0 : index
    %swap3A_27 = arith.constant 0 : index
    %swap3A_28 = vector.load %arg5[%swap3A, %swap3A_27] : memref<2000x64xf32, #tpu.memory_space<vmem>>, vector<2000x64xf32>
    tpu.vector_store %arg5[%swap3A, %swap3A_27], %add3A_26 {strides = array<i32>} : memref<2000x64xf32, #tpu.memory_space<vmem>>, vector<2000x64xf32>,
    return
  }
  func.func @transform_0(%arg0: i32) -> (i32, i32) {
    %c0_i32 = arith.constant 0 : i32
    %c0_i32_0 = arith.constant 0 : i32
    return %arg0, %c0_i32 : i32, i32
  }
  func.func @transform_1(%arg0: i32) -> (i32, i32, i32) {
    %c0_i32 = arith.constant 0 : i32
    %c0_i32_0 = arith.constant 0 : i32
    %c0_i32_1 = arith.constant 0 : i32
    return %c0_i32, %arg0, %c0_i32_0 : i32, i32, i32
  }
  func.func @transform_2(%arg0: i32) -> (i32, i32, i32) {
    %c0_i32 = arith.constant 0 : i32
    %c0_i32_0 = arith.constant 0 : i32
    %c0_i32_1 = arith.constant 0 : i32
    return %arg0, %c0_i32, %c0_i32_0 : i32, i32, i32
  }
  func.func @transform_3(%arg0: i32) -> (i32, i32) {
    %c0_i32 = arith.constant 0 : i32
    %c0_i32_0 = arith.constant 0 : i32
    %c0_i32_1 = arith.constant 0 : i32
    return %c0_i32, %c0_i32_0 : i32, i32
  }
  func.func @transform_4(%arg0: i32) -> (i32, i32) {
    %c0_i32 = arith.constant 0 : i32
    %c0_i32_0 = arith.constant 0 : i32
    return %arg0, %c0_i32 : i32, i32
  }
}

</mosaic_0001>

<sc_bundles>
// kernel: kernel.6.cloned.1.call-start
scs
__scs_entry_jumppad:
0x0: {  	(pc) =	sbr.rel $0x88, $3  }
0x1: {  	(tag) =	ssettag $0x0;
	lr =	simm.s32 $0x1  }
0x2: {  	[smem:$0x3F99] =	sst lr;
	_ =	strace $0xD0000000  }
0x3: {  	_ = 	snop  }
0x4: {  	_ = 	snop  }
0x5: {  	_ = 	snop  }
0x6: {  	_ = 	snop  }
0x7: {  	_ = 	snop  }
__scs_overlays_trampoline_lowered:
0x8: {  	[smem:$0x3FA8] =	sst s0  }
0x9: {  	[smem:$0x3FA9] =	sst s1  }
0xa: {  	[smem:$0x3FAA] =	sst s2  }
0xb: {  	[smem:$0x3FAB] =	sst s3  }
0xc: {  	[smem:$0x3FAC] =	sst s4  }
0xd: {  	[smem:$0x3FAD] =	sst s5  }
0xe: {  	[smem:$0x3FAE] =	sst s6  }
0xf: {  	[smem:$0x3FAF] =	sst s7  }
0x10: {  	[smem:$0x3FB0] =	sst s8  }
0x11: {  	[smem:$0x3FB1] =	sst s9;
	s0 =	simm.s32 @!p0 $0x0  }
0x12: {  	s1 =	sld [smem:$0x3F97];
	s0 =	simm.s32 @p0 $0x1  }
0x13: {  	[smem:$0x3FB2] =	sst s0;
	s0 =	simm.s32 @!p1 $0x0  }
0x14: {  	s2 =	sld [smem:$0x3F96];
	s0 =	simm.s32 @p1 $0x1  }
0x15: {  	[smem:$0x3FB3] =	sst s0;
	s0 =	simm.s32 @!p2 $0x0  }
0x16: {  	s3 =	sld [smem:$0x3FDB];
	s0 =	simm.s32 @p2 $0x1  }
0x17: {  	s4 =	simm.s32 $0x1BF5;
	[smem:$0x3FB5] =	sst s0  }
0x18: {  	s0 =	sld [smem:$0x3F98];
	_ =	swait.ge [sflag:s4], $0x0  }
0x19: {  	s7 =	sld [smem:$0x3F99]  }
0x1a: {  	s8 =	sadd.s32 $0xFFFFE003, lr  }
0x1b: {  	s9 =	sadd.s32 $0xFFFFFEF7, lr;
	s5 =	simm.s32 $0xFFFFFFFF;
	p2 =	slt.u32 s8, $0xFFFFF086  }
0x1c: {  	p1 =	slt.u32 s9, $0xF7A;
	s5 =	simm.s32 @!p2 $0x0  }
0x1d: {  	s5 =	simm.s32 @p1 $0x1;
	p0 =	seq.s32 s7, s2  }
0x1e: {  	s7 =	smul.u32 @!p0 $0xF7A, s2;
	p2 =	seq.s32 @!p0 s5, $0x0  }
0x1f: {  	s9 =	smul.u32 $0xF7A, s1;
	s8 =	simm.s32 @!p0 $0x1BF5;
	p2 =	por !p2, p0  }
0x20: {  	[sflag:s8] =	ssyncset.s32 @!p0 $0xFFFFF086;
	s6 =	sadd.s32 @!p0 s3, s7;
	s7 =	simm.s32 @!p0 $0x108  }
0x21: {  	s3 =	sadd.s32 s3, s9;
	s6 =	sadd.s32 @!p0 $0x88, s6;
	s7 =	simm.s32 @p2 $0x1082  }
0x22: {  	[simem:s7], [sflag:s8] =	dma.local @!p0 [hbm:s6], $0xF7A  }
0x23: {  	s9 =	sor.u32 $0xD0000000, s2;
	s6 =	simm.s32 $0x108;
	_ =	swait.ge @!p0 [sflag:s8], $0x0  }
0x24: {  	s3 =	sadd.s32 $0x88, s3;
	s6 =	simm.s32 @!p1 $0x1082;
	[sflag:s4] =	ssyncset.s32 $0xFFFFF086  }
0x25: {  	[simem:s6], [sflag:s4] =	dma.local [hbm:s3], $0xF7A  }
0x26: {  	[smem:$0x3F99] =	sst s1;
	(tag) =	ssettag s2;
	_ =	strace s9  }
0x27: {  	s1 =	sld [smem:$0x3FA9]  }
0x28: {  	s2 =	sld [smem:$0x3FAA]  }
0x29: {  	s4 =	sld [smem:$0x3FAC]  }
0x2a: {  	p0 =	seq.s32 s5, $0x0;
	s5 =	sld [smem:$0x3FAD]  }
0x2b: {  	s6 =	sld [smem:$0x3FAE]  }
0x2c: {  	s7 =	sld [smem:$0x3FAF]  }
0x2d: {  	s3 =	simm.s32 $0x108;
	s8 =	sld [smem:$0x3FB0]  }
0x2e: {  	s3 =	simm.s32 @!p0 $0x1082;
	s9 =	sld [smem:$0x3FB1]  }
0x2f: {  	lr =	sadd.s32 s0, s3;
	s0 =	sld [smem:$0x3FA8]  }
0x30: {  	s3 =	sld [smem:$0x3FAB]  }
0x31: {  	[smem:$0x3FB4] =	sst s10  }
0x32: {  	s10 =	sld [smem:$0x3FB2];
	_ =	sdelay $0x3  }
0x33: {  	p0 =	seq.s32 s10, $0x1;
	s10 =	sld [smem:$0x3FB4];
	_ =	sdelay $0x3  }
0x34: {  	[smem:$0x3FB4] =	sst s10  }
0x35: {  	s10 =	sld [smem:$0x3FB3];
	_ =	sdelay $0x3  }
0x36: {  	p1 =	seq.s32 s10, $0x1;
	s10 =	sld [smem:$0x3FB4];
	_ =	sdelay $0x3  }
0x37: {  	[smem:$0x3FB4] =	sst s10  }
0x38: {  	s10 =	sld [smem:$0x3FB5]  }
0x39: {  	_ = 	snop;
	(pc) =	sbr.ind lr, $3  }
0x3a: {  	_ = 	snop  }
0x3b: {  	_ = 	snop  }
0x3c: {  	p2 =	seq.s32 s10, $0x1;
	s10 =	sld [smem:$0x3FB4]  }
0x3d: {  	_ =	shalt  }
0x3e: {  	_ =	shalt  }
0x3f: {  	_ =	shalt  }
0x40: {  	_ =	shalt  }
0x41: {  	_ =	shalt  }
0x42: {  	_ =	shalt  }
0x43: {  	_ =	shalt  }
0x44: {  	_ =	shalt  }
0x45: {  	_ =	shalt  }
0x46: {  	_ =	shalt  }
0x47: {  	_ =	shalt  }
0x48: {  	_ =	shalt  }
0x49: {  	_ =	shalt  }
0x4a: {  	_ =	shalt  }
0x4b: {  	_ =	shalt  }
0x4c: {  	_ =	shalt  }
0x4d: {  	_ =	shalt  }
0x4e: {  	_ =	shalt  }
0x4f: {  	_ =	shalt  }
0x50: {  	_ =	shalt  }
0x51: {  	_ =	shalt  }
0x52: {  	_ =	shalt  }
0x53: {  	_ =	shalt  }
0x54: {  	_ =	shalt  }
0x55: {  	_ =	shalt  }
0x56: {  	_ =	shalt  }
0x57: {  	_ =	shalt  }
0x58: {  	_ =	shalt  }
0x59: {  	_ =	shalt  }
0x5a: {  	_ =	shalt  }
0x5b: {  	_ =	shalt  }
0x5c: {  	_ =	shalt  }
0x5d: {  	_ =	shalt  }
0x5e: {  	_ =	shalt  }
0x5f: {  	_ =	shalt  }
0x60: {  	_ =	shalt  }
0x61: {  	_ =	shalt  }
0x62: {  	_ =	shalt  }
0x63: {  	_ =	shalt  }
0x64: {  	_ =	shalt  }
0x65: {  	_ =	shalt  }
0x66: {  	_ =	shalt  }
0x67: {  	_ =	shalt  }
0x68: {  	_ =	shalt  }
0x69: {  	_ =	shalt  }
0x6a: {  	_ =	shalt  }
0x6b: {  	_ =	shalt  }
0x6c: {  	_ =	shalt  }
0x6d: {  	_ =	shalt  }
0x6e: {  	_ =	shalt  }
0x6f: {  	_ =	shalt  }
0x70: {  	_ =	shalt  }
0x71: {  	_ =	shalt  }
0x72: {  	_ =	shalt  }
0x73: {  	_ =	shalt  }
0x74: {  	_ =	shalt  }
0x75: {  	_ =	shalt  }
0x76: {  	_ =	shalt  }
0x77: {  	_ =	shalt  }
0x78: {  	_ =	shalt  }
0x79: {  	_ =	shalt  }
0x7a: {  	_ =	shalt  }
0x7b: {  	_ =	shalt  }
0x7c: {  	_ =	shalt  }
0x7d: {  	_ =	shalt  }
0x7e: {  	_ =	shalt  }
0x7f: {  	_ =	shalt  }
0x80: {  	_ =	shalt  }
0x81: {  	_ =	shalt  }
0x82: {  	_ =	shalt  }
0x83: {  	_ =	shalt  }
0x84: {  	_ =	shalt  }
0x85: {  	_ =	shalt  }
0x86: {  	_ =	shalt  }
0x87: {  	_ =	shalt  }
.Lfunc_end0:
.L_simem_size_0:
called_computation_lowered:
.L_overlay_start_0:
0x88: {  	s2 =	sld [smem:$0x3FD9]  }
0x89: {  	s3 =	sld [smem:$0x3FFE];
	_ =	sdelay $0x1  }
0x8a: {  	s1 =	srdreg.scid  }
0x8b: {  	s0 =	sand.u32 $0x1, s1  }
0x8c: {  	s17 =	sshll.u32 s0, $0xA;
	s2 =	sadd.s32 s3, s2  }
0x8d: {  	s2 =	sadd.s32 s2, s17  }
0x8e: {  	[smem:$0x3FC0] =	sst s2  }
0x8f: {  	_ = 	snop  }
0x90: {  	s2 =	sld [smem:$0x3FC9]  }
0x91: {  	s18 =	sld [smem:$0x3FD0];
	(tm) =	ssettm $0x1  }
0x92: {  	s4 =	sld [smem:$0x3FFB];
	_ =	sdelay $0x3  }
0x93: {  	_ =	strace s4  }
0x94: {  	s4 =	sld [smem:$0x3FFC];
	_ =	sdelay $0x3  }
0x95: {  	_ =	strace s4  }
0x96: {  	s4 =	sld [smem:$0x3FFD];
	_ =	sdelay $0x3  }
0x97: {  	_ =	strace s4  }
0x98: {  	_ =	strace $0x8FFFFFFF  }
0x99: {  	s19 =	sld [smem:$0x3FDB];
	_ =	sdelay $0x1  }
0x9a: {  	s5 =	simm.s32 $_scs_section_size  }
0x9b: {  	s6 =	simm.s32 $_size__tile_overlayer_lowered;
	s7 =	simm.s32 $_tile_overlayer_lowered  }
0x9c: {  	s22 =	simm.s32 $0x1BFF;
	s21 =	sshll.u32 s7, $0x1;
	s4 =	sadd.s32 s5, s19  }
0x9d: {  	s8 =	simm.s32 $0x0;
	s20 =	sshll.u32 s6, $0x1;
	s6 =	sadd.s32 s21, s4  }
0x9e: {  	[timem:s8], [sflag:s22] =	dma.local [hbm:s6], s20  }
0x9f: {  	_ =	swait.ge [sflag:s22], s20  }
0xa0: {  	s5 =	ssub.s32 $0x0, s20;
	[sflag:s22] =	ssyncset.done $0x0  }
0xa1: {  	[sflag:s22] =	ssyncadd.s32 s5;
	_ =	sdelay $0x1  }
0xa2: {  	s23 =	simm.s32 $0x1B8B  }
0xa3: {  	_ =	swait.ge [sflag:s23], $0x1  }
0xa4: {  	[sflag:s23] =	ssyncset.done $0x0  }
0xa5: {  	s25 =	simm.s32 $0x1B8E;
	s24 =	sld [smem:$0x3FFE];
	[sflag:s23] =	ssyncadd.s32 $0xFFFFFFFF  }
0xa6: {  	s26 =	simm.s32 $execute0_lowered;
	[smem:$0x3FD2] =	sst s25  }
0xa7: {  	s6 =	sshll.u32 s26, $0x1;
	_ =	strace $0x80000046;
	[dreg:$0x1] =	wrdreg $0xFFFFFFFF  }
0xa8: {  	s28 =	simm.s32 $_size_execute0_lowered;
	s4 =	sadd.s32 s4, s6;
	[dreg:$0x0] =	wrdreg $0x0  }
0xa9: {  	s6 =	sshll.u32 s28, $0x1;
	[dreg:$0x2] =	wrdreg s4  }
0xaa: {  	[dreg:$0x3] =	wrdreg s6  }
0xab: {  	[dreg:$0x4] =	wrdreg $0xC0  }
0xac: {  	_ =	task [dreg:s8], $0x5FFFF  }
0xad: {  	[dreg:$0x1] =	wrdreg $0xFFFFFFFF  }
0xae: {  	[dreg:$0x0] =	wrdreg $0x60  }
0xaf: {  	[dreg:$0x2] =	wrdreg s2  }
0xb0: {  	[dreg:$0x3] =	wrdreg s24  }
0xb1: {  	[dreg:$0x4] =	wrdreg s18  }
0xb2: {  	[dreg:$0x5] =	wrdreg $0x9E200  }
0xb3: {  	[dreg:$0x6] =	wrdreg $0x9  }
0xb4: {  	_ =	task.clear_ibuf [dreg:s8], $0x7FFFF;
	_ =	strace $0x90000046  }
0xb5: {  	s29 =	simm.s32 $0x9;
	_ =	strace $0x80000048  }
0xb6: {  	_ =	swait.ge [sflag:s29], $0x1  }
0xb7: {  	[sflag:s29] =	ssyncadd.s32 $0xFFFFFFFF  }
0xb8: {  	_ =	strace $0x90000048  }
0xb9: {  	_ =	sfence  }
0xba: {  	s30 =	sld [smem:$0x0];
	_ =	sdelay $0x2  }
0xbb: {  	s31 =	sshll.u32 s1, $0xD;
	s1 =	sshrl.u32 s1, $0x2  }
0xbc: {  	s3 =	sand.u32 $0x4000, s31;
	s1 =	sadd.s32 s1, s30  }
0xbd: {  	s0 =	sor.u32 s3, s0;
	s1 =	sshll.u32 s1, $0x11  }
0xbe: {  	s0 =	sor.u32 s1, s0  }
0xbf: {  	s0 =	sadd.s32 $0x8F2B, s0  }
0xc0: {  	[sflag:s0] =	ssyncadd.remote.s32 $0x1  }
0xc1: {  	_ =	sfence.sel $0xFFFF  }
0xc2: {  	[dreg:$0x0] =	wrdreg $0xFFFFFFFF;
	(pc) =	sbr.abs _section_cstart, $3  }
0xc3: {  	[dreg:$0x1] =	wrdreg $0xFFFFFFFF  }
0xc4: {  	_ =	task.clear_ibuf [dreg:s8], $0x2FFFF;
	_ =	strace $0x9FFFFFFF  }
0xc5: {  	(tm) =	ssettm $0x7FFFFFFF  }
tec
execute0_lowered:
.L_overlay_start_1:
0x0: {  	(tag) =	ssettag $0x1  }
0x1: {  	s1 =	rddreg [dreg:$0x0];
	s0 =	srdreg.scid  }
0x2: {  	s9 =	stileid.u32;
	s2 =	rddreg [dreg:$0x1]  }
0x3: {  	s14 =	rddreg [dreg:$0x2];
	s4 =	simm.s32 $0x0;
	s22 =	simm.s32 $0x4E20  }
0x4: {  	s23 =	simm.s32 $0x3;
	s25 =	simm.s32 $0x50;
	s28 =	simm.s32 $0x1  }
0x5: {  	s29 =	simm.s32 $0x1D6A0;
	s30 =	simm.s32 $0x2;
	s0 =	sand.u32 $0x1, s0  }
0x6: {  	s3 =	sshll.u32 s9, $0x1;
	s6 =	smul.u32 $0x13880, s9;
	[smem:$0x7FF] =	sst s4  }
0x7: {  	s9 =	smul.u32 $0x4E200, s9;
	s7 =	sor.u32 s0, s3;
	s3 =	rddreg [dreg:$0x3]  }
0x8: {  	s8 =	smul.u32 $0x138800, s0;
	_ =	strace $0x80000047;
	s0 =	ssub.s32 $0x2, s0  }
0x9: {  	s5 =	smul.u32 $0x4E2, s7;
	s31 =	sshrl.u32 s0, $0x1;
	s9 =	sshrl.u32 s9, $0x2  }
0xa: {  	s13 =	smul.u32 $0x7D0, s7;
	s26 =	sadd.s32 s6, s8;
	s0 =	ssub.s32 s0, s31  }
0xb: {  	s12 =	sadd.s32 s9, s3;
	s15 =	sadd.s32 s5, s2;
	s5 =	sshrl.u32 s26, $0x3  }
0xc: {  	s7 =	sadd.s32 $0x5000, s12;
	s8 =	sadd.s32 $0x7800, s12;
	s9 =	sadd.s32 $0xA000, s12  }
0xd: {  	s10 =	sadd.s32 $0xC800, s12;
	s11 =	sadd.s32 $0xF000, s12;
	s16 =	sshrl.u32 s13, $0x3  }
0xe: {  	s21 =	smax.u32 s0, $0x1;
	s26 =	simm.s32 $0x7620;
	s2 =	sadd.s32 s5, s2  }
0xf: {  	s5 =	sadd.s32 s6, s3;
	s6 =	sadd.s32 $0x2800, s12;
	s12 =	sadd.s32 $0x11800, s12  }
0x10: {  	s13 =	sadd.s32 $0xB800, s15;
	s14 =	sadd.s32 s14, s16;
	s15 =	sadd.s32 $0x1A00, s15  }
0x11: {  	s16 =	sadd.s32 $0x15600, s2;
	s17 =	sadd.s32 $0x1F40, s14;
	s18 =	sadd.s32 $0x3E80, s14  }
0x12: {  	v0 =	vimm.f32 $0.0e+00;
	v1 =	vimm.f32 $1.000000000e+00;
	s19 =	sadd.s32 $0x5DC0, s14;
	s20 =	sadd.s32 $0x7D00, s14;
	s2 =	simm.s32 $0x0  }
.LBB2_1:
0x13: {  	s0 =	simm.s32 $0x70;
	s24 =	simm.s32 $0x3C0  }
.LBB2_2:
0x14: {  	p0 =	sne.s32 s24, $0x9FC0;
	[tilespmem:s0+$0x4E20] =	vst v0  }
0x15: {  	[tilespmem:s0+$0x4DB0] =	vst v0  }
0x16: {  	[tilespmem:s0+$0x4DC0] =	vst v0  }
.Ltmp0:
0x17: {  	[tilespmem:s0+$0x4DD0] =	vst v0;
	(pc) =	sbr.rel @p0 .LBB2_2-.Ltmp0, $4  }
0x18: {  	[tilespmem:s0+$0x4DE0] =	vst v0  }
0x19: {  	[tilespmem:s0+$0x4DF0] =	vst v0  }
0x1a: {  	[tilespmem:s0+$0x4E00] =	vst v0  }
0x1b: {  	[tilespmem:s0+$0x4E10] =	vst v0;
	s0 =	sshra.s32 s24, $0x2;
	s24 =	sadd.s32 $0x200, s24  }
0x1c: {  	[tilespmem:s0+$0x4E20] =	vst v0  }
0x1d: {  	[tilespmem:s0+$0x4DB0] =	vst v0  }
0x1e: {  	[tilespmem:s0+$0x4DC0] =	vst v0  }
0x1f: {  	[tilespmem:s0+$0x4DD0] =	vst v0  }
0x20: {  	[tilespmem:s0+$0x4DE0] =	vst v0  }
0x21: {  	[tilespmem:s0+$0x4DF0] =	vst v0  }
0x22: {  	[tilespmem:s0+$0x4E00] =	vst v0  }
0x23: {  	[tilespmem:s0+$0x4E10] =	vst v0;
	s0 =	simm.s32 $0x40;
	s24 =	simm.s32 $0x0  }
.LBB2_4:
0x24: {  	p0 =	sne.s32 s0, $0x9C00;
	[tilespmem:s24+$0x1D6A0] =	vst v0;
	s24 =	smov.u32 s0;
	s0 =	sadd.s32 $0x40, s0  }
.Ltmp1:
0x25: {  	(pc) =	sbr.rel @p0 .LBB2_4-.Ltmp1, $2  }
0x26: {  	_ =	sdelay $0x2  }
0x27: {  	s24 =	sshra.s32 s24, $0x2  }
0x28: {  	[tilespmem:s24+$0x1D6A0] =	vst v0  }
0x29: {  	[spmem:s5] =	stream.linear.scatter [tilespmem:s22], [sflag:$0x3], $0x2800, $0x38;
	[tilespmem:$0x1FDB0] =	vst v63  }
0x2a: {  	_ =	swait.ge [sflag:s23], $0x2800  }
0x2b: {  	[sflag:s23] =	ssyncset.done $0x0  }
0x2c: {  	[sflag:s23] =	ssyncadd.s32 $0xFFFFD800  }
0x2d: {  	[spmem:s6] =	stream.linear.scatter [tilespmem:s22], [sflag:$0x3], $0x2800, $0x38;
	[tilespmem:$0x1FDB0] =	vst v63  }
0x2e: {  	_ =	swait.ge [sflag:s23], $0x2800  }
0x2f: {  	[sflag:s23] =	ssyncset.done $0x0  }
0x30: {  	[sflag:s23] =	ssyncadd.s32 $0xFFFFD800  }
0x31: {  	[spmem:s7] =	stream.linear.scatter [tilespmem:s22], [sflag:$0x3], $0x2800, $0x38;
	[tilespmem:$0x1FDB0] =	vst v63  }
0x32: {  	_ =	swait.ge [sflag:s23], $0x2800  }
0x33: {  	[sflag:s23] =	ssyncset.done $0x0  }
0x34: {  	[sflag:s23] =	ssyncadd.s32 $0xFFFFD800  }
0x35: {  	[spmem:s8] =	stream.linear.scatter [tilespmem:s22], [sflag:$0x3], $0x2800, $0x38;
	[tilespmem:$0x1FDB0] =	vst v63  }
0x36: {  	_ =	swait.ge [sflag:s23], $0x2800  }
0x37: {  	[sflag:s23] =	ssyncset.done $0x0  }
0x38: {  	[sflag:s23] =	ssyncadd.s32 $0xFFFFD800  }
0x39: {  	[spmem:s9] =	stream.linear.scatter [tilespmem:s22], [sflag:$0x3], $0x2800, $0x38;
	[tilespmem:$0x1FDB0] =	vst v63  }
0x3a: {  	_ =	swait.ge [sflag:s23], $0x2800  }
0x3b: {  	[sflag:s23] =	ssyncset.done $0x0  }
0x3c: {  	[sflag:s23] =	ssyncadd.s32 $0xFFFFD800  }
0x3d: {  	[spmem:s10] =	stream.linear.scatter [tilespmem:s22], [sflag:$0x3], $0x2800, $0x38;
	[tilespmem:$0x1FDB0] =	vst v63  }
0x3e: {  	_ =	swait.ge [sflag:s23], $0x2800  }
0x3f: {  	[sflag:s23] =	ssyncset.done $0x0  }
0x40: {  	[sflag:s23] =	ssyncadd.s32 $0xFFFFD800  }
0x41: {  	[spmem:s11] =	stream.linear.scatter [tilespmem:s22], [sflag:$0x3], $0x2800, $0x38;
	[tilespmem:$0x1FDB0] =	vst v63  }
0x42: {  	_ =	swait.ge [sflag:s23], $0x2800  }
0x43: {  	[sflag:s23] =	ssyncset.done $0x0  }
0x44: {  	[sflag:s23] =	ssyncadd.s32 $0xFFFFD800  }
0x45: {  	[spmem:s12] =	stream.linear.scatter [tilespmem:s22], [sflag:$0x3], $0x2080, $0x38;
	[tilespmem:$0x1FDB0] =	vst v63  }
0x46: {  	_ =	swait.ge [sflag:s23], $0x2080  }
0x47: {  	[sflag:s23] =	ssyncset.done $0x0  }
0x48: {  	s0 =	simm.s32 $0x0;
	[sflag:s23] =	ssyncadd.s32 $0xFFFFDF80  }
0x49: {  	[tilespmem:s0], [sflag:$0x3] =	stream.linear.gather [hbm4b:s13+s0], $0x2710, $0x38;
	[tilespmem:$0x1FDB0] =	vst v63  }
0x4a: {  	_ =	swait.ge [sflag:s23], $0x2710  }
0x4b: {  	[sflag:s23] =	ssyncset.done $0x0  }
0x4c: {  	s31 =	simm.s32 $0x2710;
	[sflag:s23] =	ssyncadd.s32 $0xFFFFD8F0  }
0x4d: {  	[tilespmem:s31], [sflag:$0x3] =	stream.linear.gather [hbm4b:s15+s0], $0x2710, $0x38;
	[tilespmem:$0x1FDB0] =	vst v63  }
0x4e: {  	_ =	swait.ge [sflag:s23], $0x2710  }
0x4f: {  	[sflag:s23] =	ssyncset.done $0x0  }
0x50: {  	[sflag:s23] =	ssyncadd.s32 $0xFFFFD8F0  }
0x51: {  	[bflag:$0x0] =	sbarrier.arrive $0xFFFF  }
0x52: {  	[tilespmem:s22], [sflag:$0x1] =	stream.indirect.gather [hbm4b:s1+s25], $0x80, s0, s25, $0xb8;
	[tilespmem:$0x1FDB0] =	vst v63  }
.LBB2_6:
0x53: {  	s24 =	sshra.s32 s0, $0x2  }
0x54: {  	s31 =	sadd.s32 $0x50, s24  }
0x55: {  	[tilespmem:s26], [sflag:$0x2] =	stream.indirect.gather [hbm4b:s1+s25], $0x80, s31, s25, $0xb8;
	[tilespmem:$0x1FDB0] =	vst v63  }
0x56: {  	_ =	swait.ge [sflag:s28], $0x2800  }
0x57: {  	[sflag:s28] =	ssyncset.done $0x0  }
0x58: {  	s31 =	sadd.s32 $0x2710, s24;
	[sflag:s28] =	ssyncadd.s32 $0xFFFFD800  }
0x59: {  	[spmem:s3] =	stream.indirect.scatter.add.f32 [tilespmem:s22], [sflag:$0x3], $0x80, s31, s25, $0xb8;
	[tilespmem:$0x1FDB0] =	vst v63  }
0x5a: {  	_ =	swait.ge [sflag:s23], $0x2800  }
0x5b: {  	[sflag:s23] =	ssyncset.done $0x0  }
0x5c: {  	[sflag:s23] =	ssyncadd.s32 $0xFFFFD800  }
0x5d: {  	v2 =	vld [tilespmem:s24+$0x2710];
	_ =	sdelay $0x7  }
0x5e: {  	[tilespmem:v2+s29+$0x0] =	vst.idx.add.f32.msk $0xffff, v1  }
0x5f: {  	v2 =	vld [tilespmem:s24+$0x2720];
	_ =	sdelay $0x7  }
0x60: {  	[tilespmem:v2+s29+$0x0] =	vst.idx.add.f32.msk $0xffff, v1  }
0x61: {  	v2 =	vld [tilespmem:s24+$0x2730];
	_ =	sdelay $0x7  }
0x62: {  	[tilespmem:v2+s29+$0x0] =	vst.idx.add.f32.msk $0xffff, v1  }
0x63: {  	v2 =	vld [tilespmem:s24+$0x2740];
	_ =	sdelay $0x7  }
0x64: {  	[tilespmem:v2+s29+$0x0] =	vst.idx.add.f32.msk $0xffff, v1  }
0x65: {  	v2 =	vld [tilespmem:s24+$0x2750];
	_ =	sdelay $0x7  }
0x66: {  	s31 =	sadd.s32 $0xA0, s24;
	[tilespmem:v2+s29+$0x0] =	vst.idx.add.f32.msk $0xffff, v1  }
0x67: {  	[tilespmem:s22], [sflag:$0x1] =	stream.indirect.gather [hbm4b:s1+s25], $0x80, s31, s25, $0xb8;
	[tilespmem:$0x1FDB0] =	vst v63  }
0x68: {  	_ =	swait.ge [sflag:s30], $0x2800  }
0x69: {  	[sflag:s30] =	ssyncset.done $0x0  }
0x6a: {  	s31 =	sadd.s32 $0x2760, s24;
	[sflag:s30] =	ssyncadd.s32 $0xFFFFD800  }
0x6b: {  	[spmem:s3] =	stream.indirect.scatter.add.f32 [tilespmem:s26], [sflag:$0x3], $0x80, s31, s25, $0xb8;
	[tilespmem:$0x1FDB0] =	vst v63  }
0x6c: {  	_ =	swait.ge [sflag:s23], $0x2800  }
0x6d: {  	[sflag:s23] =	ssyncset.done $0x0  }
0x6e: {  	[sflag:s23] =	ssyncadd.s32 $0xFFFFD800  }
0x6f: {  	v2 =	vld [tilespmem:s24+$0x2760];
	_ =	sdelay $0x7  }
0x70: {  	[tilespmem:v2+s29+$0x0] =	vst.idx.add.f32.msk $0xffff, v1  }
0x71: {  	v2 =	vld [tilespmem:s24+$0x2770];
	_ =	sdelay $0x7  }
0x72: {  	[tilespmem:v2+s29+$0x0] =	vst.idx.add.f32.msk $0xffff, v1  }
0x73: {  	v2 =	vld [tilespmem:s24+$0x2780];
	_ =	sdelay $0x7  }
0x74: {  	[tilespmem:v2+s29+$0x0] =	vst.idx.add.f32.msk $0xffff, v1  }
0x75: {  	v2 =	vld [tilespmem:s24+$0x2790];
	_ =	sdelay $0x7  }
0x76: {  	[tilespmem:v2+s29+$0x0] =	vst.idx.add.f32.msk $0xffff, v1  }
0x77: {  	v2 =	vld [tilespmem:s24+$0x27A0];
	_ =	sdelay $0x2  }
0x78: {  	p0 =	sne.s32 s0, $0x9880  }
.Ltmp2:
0x79: {  	_ = 	snop;
	(pc) =	sbr.rel @p0 .LBB2_6-.Ltmp2, $2  }
0x7a: {  	_ =	sdelay $0x2  }
0x7b: {  	s0 =	sadd.s32 $0x280, s0;
	[tilespmem:v2+s29+$0x0] =	vst.idx.add.f32.msk $0xffff, v1  }
0x7c: {  	_ =	swait.ge [sflag:s28], $0x2800  }
0x7d: {  	[sflag:s28] =	ssyncset.done $0x0  }
0x7e: {  	s0 =	simm.s32 $0x4DD0;
	[sflag:s28] =	ssyncadd.s32 $0xFFFFD800  }
0x7f: {  	[spmem:s3] =	stream.indirect.scatter.add.f32 [tilespmem:s22], [sflag:$0x3], $0x80, s0, s25, $0xb8;
	[tilespmem:$0x1FDB0] =	vst v63  }
0x80: {  	_ =	swait.ge [sflag:s23], $0x2800  }
0x81: {  	[sflag:s23] =	ssyncset.done $0x0  }
0x82: {  	[sflag:s23] =	ssyncadd.s32 $0xFFFFD800  }
0x83: {  	v2 =	vld [tilespmem:$0x4DD0];
	_ =	sdelay $0x7  }
0x84: {  	[tilespmem:v2+s29+$0x0] =	vst.idx.add.f32.msk $0xffff, v1  }
0x85: {  	v2 =	vld [tilespmem:$0x4DE0];
	_ =	sdelay $0x7  }
0x86: {  	[tilespmem:v2+s29+$0x0] =	vst.idx.add.f32.msk $0xffff, v1  }
0x87: {  	v2 =	vld [tilespmem:$0x4DF0];
	_ =	sdelay $0x7  }
0x88: {  	[tilespmem:v2+s29+$0x0] =	vst.idx.add.f32.msk $0xffff, v1  }
0x89: {  	v2 =	vld [tilespmem:$0x4E00];
	_ =	sdelay $0x7  }
0x8a: {  	[tilespmem:v2+s29+$0x0] =	vst.idx.add.f32.msk $0xffff, v1  }
0x8b: {  	v2 =	vld [tilespmem:$0x4E10];
	_ =	sdelay $0x6  }
0x8c: {  	s31 =	stileid.u32  }
0x8d: {  	s0 =	sshll.u32 s31, $0x6;
	[tilespmem:v2+s29+$0x0] =	vst.idx.add.f32.msk $0xffff, v1  }
0x8e: {  	s24 =	sshrl.u32 s5, $0x3;
	s0 =	sor.u32 $0x1C03, s0;
	[bflag:$0x0] =	sbarrier.arrive $0xFFFF  }
0x8f: {  	[hbm:s16], [sflag:s0] =	dma.local [spmem:s24], $0x2710  }
0x90: {  	_ =	swait.ge [sflag:s23], $0x2710  }
0x91: {  	[sflag:s23] =	ssyncset.done $0x0  }
0x92: {  	[sflag:s23] =	ssyncadd.s32 $0xFFFFD8F0  }
0x93: {  	[hbm4b:s14+s4] =	stream.linear.scatter [tilespmem:s29], [sflag:$0x3], $0x7D0, $0x38;
	[tilespmem:$0x1FDB0] =	vst v63  }
0x94: {  	_ =	swait.ge [sflag:s23], $0x7D0  }
0x95: {  	[sflag:s23] =	ssyncset.done $0x0  }
0x96: {  	s24 =	simm.s32 $0x1DE70;
	[sflag:s23] =	ssyncadd.s32 $0xFFFFF830  }
0x97: {  	[hbm4b:s17+s4] =	stream.linear.scatter [tilespmem:s24], [sflag:$0x3], $0x7D0, $0x38;
	[tilespmem:$0x1FDB0] =	vst v63  }
0x98: {  	_ =	swait.ge [sflag:s23], $0x7D0  }
0x99: {  	[sflag:s23] =	ssyncset.done $0x0  }
0x9a: {  	s31 =	simm.s32 $0x1E640;
	[sflag:s23] =	ssyncadd.s32 $0xFFFFF830  }
0x9b: {  	[hbm4b:s18+s4] =	stream.linear.scatter [tilespmem:s31], [sflag:$0x3], $0x7D0, $0x38;
	[tilespmem:$0x1FDB0] =	vst v63  }
0x9c: {  	_ =	swait.ge [sflag:s23], $0x7D0  }
0x9d: {  	[sflag:s23] =	ssyncset.done $0x0  }
0x9e: {  	s24 =	simm.s32 $0x1EE10;
	[sflag:s23] =	ssyncadd.s32 $0xFFFFF830  }
0x9f: {  	[hbm4b:s19+s4] =	stream.linear.scatter [tilespmem:s24], [sflag:$0x3], $0x7D0, $0x38;
	[tilespmem:$0x1FDB0] =	vst v63  }
0xa0: {  	s2 =	sadd.s32 $0x1, s2;
	_ =	swait.ge [sflag:s23], $0x7D0  }
0xa1: {  	p0 =	sne.s32 s2, s21;
	[sflag:s23] =	ssyncset.done $0x0  }
.Ltmp3:
0xa2: {  	s31 =	simm.s32 $0x1F5E0;
	[sflag:s23] =	ssyncadd.s32 $0xFFFFF830;
	(pc) =	sbr.rel @p0 .LBB2_1-.Ltmp3, $4  }
0xa3: {  	[hbm4b:s20+s4] =	stream.linear.scatter [tilespmem:s31], [sflag:$0x3], $0x7D0, $0x38;
	[tilespmem:$0x1FDB0] =	vst v63  }
0xa4: {  	_ =	swait.ge [sflag:s23], $0x7D0  }
0xa5: {  	[sflag:s23] =	ssyncset.done $0x0  }
0xa6: {  	[sflag:s23] =	ssyncadd.s32 $0xFFFFF830  }
0xa7: {  	_ =	sfence.sel $0x180000  }
0xa8: {  	[bflag:$0x0] =	sbarrier.arrive $0xFFFF  }
0xa9: {  	_ =	strace $0x90000047  }
0xaa: {  	s0 =	stileid.u32;
	[bflag:$0x2] =	sbarrier.arrive $0xFFFF  }
0xab: {  	p0 =	sne.s32 s0, $0x0;
	s0 =	rddreg [dreg:$0x4]  }
0xac: {  	s0 =	sadd.s32 @!p0 $0x100000, s0  }
0xad: {  	[sflag:s0] =	ssyncadd.tile.s32 @!p0 $0x1;
	_ =	shalt  }
.Lfunc_end2:
_tile_overlayer_lowered:
.L_overlay_start_2:
0xae: {  	(tag) =	ssettag $0x2  }
0xaf: {  	s0 =	rddreg [dreg:$0x0];
	s2 =	stileid.u32  }
0xb0: {  	s1 =	rddreg [dreg:$0x1];
	p0 =	sne.s32 s2, $0x0  }
0xb1: {  	s3 =	rddreg [dreg:$0x2];
	[bflag:$0x3] =	sbarrier.arrive $0xFFFF;
	s2 =	simm.s32 @!p0 $0x1C03  }
0xb2: {  	[timem:s3], [sflag:s2] =	dma.local @!p0 [hbm:s0], s1  }
0xb3: {  	s0 =	simm.s32 @!p0 $0x3  }
0xb4: {  	_ =	swait.ge @!p0 [sflag:s0], s1  }
0xb5: {  	s1 =	ssub.s32 @!p0 $0x0, s1;
	[sflag:s0] =	ssyncset.done @!p0 $0x0  }
0xb6: {  	[sflag:s0] =	ssyncadd.s32 @!p0 s1  }
0xb7: {  	[bflag:$0x3] =	sbarrier.arrive $0xFFFF  }
0xb8: {  	_ =	shalt  }

// kernel: kernel.9.cloned.1.call-start
scs
__scs_entry_jumppad:
0x0: {  	(pc) =	sbr.rel $0x88, $3  }
0x1: {  	(tag) =	ssettag $0x0;
	lr =	simm.s32 $0x1  }
0x2: {  	[smem:$0x3F99] =	sst lr;
	_ =	strace $0xD0000000  }
0x3: {  	_ = 	snop  }
0x4: {  	_ = 	snop  }
0x5: {  	_ = 	snop  }
0x6: {  	_ = 	snop  }
0x7: {  	_ = 	snop  }
__scs_overlays_trampoline_lowered:
0x8: {  	[smem:$0x3FA8] =	sst s0  }
0x9: {  	[smem:$0x3FA9] =	sst s1  }
0xa: {  	[smem:$0x3FAA] =	sst s2  }
0xb: {  	[smem:$0x3FAB] =	sst s3  }
0xc: {  	[smem:$0x3FAC] =	sst s4  }
0xd: {  	[smem:$0x3FAD] =	sst s5  }
0xe: {  	[smem:$0x3FAE] =	sst s6  }
0xf: {  	[smem:$0x3FAF] =	sst s7  }
0x10: {  	[smem:$0x3FB0] =	sst s8  }
0x11: {  	[smem:$0x3FB1] =	sst s9;
	s0 =	simm.s32 @!p0 $0x0  }
0x12: {  	s1 =	sld [smem:$0x3F97];
	s0 =	simm.s32 @p0 $0x1  }
0x13: {  	[smem:$0x3FB2] =	sst s0;
	s0 =	simm.s32 @!p1 $0x0  }
0x14: {  	s2 =	sld [smem:$0x3F96];
	s0 =	simm.s32 @p1 $0x1  }
0x15: {  	[smem:$0x3FB3] =	sst s0;
	s0 =	simm.s32 @!p2 $0x0  }
0x16: {  	s3 =	sld [smem:$0x3FDB];
	s0 =	simm.s32 @p2 $0x1  }
0x17: {  	s4 =	simm.s32 $0x1BF5;
	[smem:$0x3FB5] =	sst s0  }
0x18: {  	s0 =	sld [smem:$0x3F98];
	_ =	swait.ge [sflag:s4], $0x0  }
0x19: {  	s7 =	sld [smem:$0x3F99]  }
0x1a: {  	s8 =	sadd.s32 $0xFFFFE003, lr  }
0x1b: {  	s9 =	sadd.s32 $0xFFFFFEF7, lr;
	s5 =	simm.s32 $0xFFFFFFFF;
	p2 =	slt.u32 s8, $0xFFFFF086  }
0x1c: {  	p1 =	slt.u32 s9, $0xF7A;
	s5 =	simm.s32 @!p2 $0x0  }
0x1d: {  	s5 =	simm.s32 @p1 $0x1;
	p0 =	seq.s32 s7, s2  }
0x1e: {  	s7 =	smul.u32 @!p0 $0xF7A, s2;
	p2 =	seq.s32 @!p0 s5, $0x0  }
0x1f: {  	s9 =	smul.u32 $0xF7A, s1;
	s8 =	simm.s32 @!p0 $0x1BF5;
	p2 =	por !p2, p0  }
0x20: {  	[sflag:s8] =	ssyncset.s32 @!p0 $0xFFFFF086;
	s6 =	sadd.s32 @!p0 s3, s7;
	s7 =	simm.s32 @!p0 $0x108  }
0x21: {  	s3 =	sadd.s32 s3, s9;
	s6 =	sadd.s32 @!p0 $0x88, s6;
	s7 =	simm.s32 @p2 $0x1082  }
0x22: {  	[simem:s7], [sflag:s8] =	dma.local @!p0 [hbm:s6], $0xF7A  }
0x23: {  	s9 =	sor.u32 $0xD0000000, s2;
	s6 =	simm.s32 $0x108;
	_ =	swait.ge @!p0 [sflag:s8], $0x0  }
0x24: {  	s3 =	sadd.s32 $0x88, s3;
	s6 =	simm.s32 @!p1 $0x1082;
	[sflag:s4] =	ssyncset.s32 $0xFFFFF086  }
0x25: {  	[simem:s6], [sflag:s4] =	dma.local [hbm:s3], $0xF7A  }
0x26: {  	[smem:$0x3F99] =	sst s1;
	(tag) =	ssettag s2;
	_ =	strace s9  }
0x27: {  	s1 =	sld [smem:$0x3FA9]  }
0x28: {  	s2 =	sld [smem:$0x3FAA]  }
0x29: {  	s4 =	sld [smem:$0x3FAC]  }
0x2a: {  	p0 =	seq.s32 s5, $0x0;
	s5 =	sld [smem:$0x3FAD]  }
0x2b: {  	s6 =	sld [smem:$0x3FAE]  }
0x2c: {  	s7 =	sld [smem:$0x3FAF]  }
0x2d: {  	s3 =	simm.s32 $0x108;
	s8 =	sld [smem:$0x3FB0]  }
0x2e: {  	s3 =	simm.s32 @!p0 $0x1082;
	s9 =	sld [smem:$0x3FB1]  }
0x2f: {  	lr =	sadd.s32 s0, s3;
	s0 =	sld [smem:$0x3FA8]  }
0x30: {  	s3 =	sld [smem:$0x3FAB]  }
0x31: {  	[smem:$0x3FB4] =	sst s10  }
0x32: {  	s10 =	sld [smem:$0x3FB2];
	_ =	sdelay $0x3  }
0x33: {  	p0 =	seq.s32 s10, $0x1;
	s10 =	sld [smem:$0x3FB4];
	_ =	sdelay $0x3  }
0x34: {  	[smem:$0x3FB4] =	sst s10  }
0x35: {  	s10 =	sld [smem:$0x3FB3];
	_ =	sdelay $0x3  }
0x36: {  	p1 =	seq.s32 s10, $0x1;
	s10 =	sld [smem:$0x3FB4];
	_ =	sdelay $0x3  }
0x37: {  	[smem:$0x3FB4] =	sst s10  }
0x38: {  	s10 =	sld [smem:$0x3FB5]  }
0x39: {  	_ = 	snop;
	(pc) =	sbr.ind lr, $3  }
0x3a: {  	_ = 	snop  }
0x3b: {  	_ = 	snop  }
0x3c: {  	p2 =	seq.s32 s10, $0x1;
	s10 =	sld [smem:$0x3FB4]  }
0x3d: {  	_ =	shalt  }
0x3e: {  	_ =	shalt  }
0x3f: {  	_ =	shalt  }
0x40: {  	_ =	shalt  }
0x41: {  	_ =	shalt  }
0x42: {  	_ =	shalt  }
0x43: {  	_ =	shalt  }
0x44: {  	_ =	shalt  }
0x45: {  	_ =	shalt  }
0x46: {  	_ =	shalt  }
0x47: {  	_ =	shalt  }
0x48: {  	_ =	shalt  }
0x49: {  	_ =	shalt  }
0x4a: {  	_ =	shalt  }
0x4b: {  	_ =	shalt  }
0x4c: {  	_ =	shalt  }
0x4d: {  	_ =	shalt  }
0x4e: {  	_ =	shalt  }
0x4f: {  	_ =	shalt  }
0x50: {  	_ =	shalt  }
0x51: {  	_ =	shalt  }
0x52: {  	_ =	shalt  }
0x53: {  	_ =	shalt  }
0x54: {  	_ =	shalt  }
0x55: {  	_ =	shalt  }
0x56: {  	_ =	shalt  }
0x57: {  	_ =	shalt  }
0x58: {  	_ =	shalt  }
0x59: {  	_ =	shalt  }
0x5a: {  	_ =	shalt  }
0x5b: {  	_ =	shalt  }
0x5c: {  	_ =	shalt  }
0x5d: {  	_ =	shalt  }
0x5e: {  	_ =	shalt  }
0x5f: {  	_ =	shalt  }
0x60: {  	_ =	shalt  }
0x61: {  	_ =	shalt  }
0x62: {  	_ =	shalt  }
0x63: {  	_ =	shalt  }
0x64: {  	_ =	shalt  }
0x65: {  	_ =	shalt  }
0x66: {  	_ =	shalt  }
0x67: {  	_ =	shalt  }
0x68: {  	_ =	shalt  }
0x69: {  	_ =	shalt  }
0x6a: {  	_ =	shalt  }
0x6b: {  	_ =	shalt  }
0x6c: {  	_ =	shalt  }
0x6d: {  	_ =	shalt  }
0x6e: {  	_ =	shalt  }
0x6f: {  	_ =	shalt  }
0x70: {  	_ =	shalt  }
0x71: {  	_ =	shalt  }
0x72: {  	_ =	shalt  }
0x73: {  	_ =	shalt  }
0x74: {  	_ =	shalt  }
0x75: {  	_ =	shalt  }
0x76: {  	_ =	shalt  }
0x77: {  	_ =	shalt  }
0x78: {  	_ =	shalt  }
0x79: {  	_ =	shalt  }
0x7a: {  	_ =	shalt  }
0x7b: {  	_ =	shalt  }
0x7c: {  	_ =	shalt  }
0x7d: {  	_ =	shalt  }
0x7e: {  	_ =	shalt  }
0x7f: {  	_ =	shalt  }
0x80: {  	_ =	shalt  }
0x81: {  	_ =	shalt  }
0x82: {  	_ =	shalt  }
0x83: {  	_ =	shalt  }
0x84: {  	_ =	shalt  }
0x85: {  	_ =	shalt  }
0x86: {  	_ =	shalt  }
0x87: {  	_ =	shalt  }
.Lfunc_end0:
.L_simem_size_0:
called_computation.1_lowered:
.L_overlay_start_0:
0x88: {  	s2 =	sld [smem:$0x3FD9]  }
0x89: {  	s3 =	sld [smem:$0x3FFE];
	_ =	sdelay $0x1  }
0x8a: {  	s1 =	srdreg.scid  }
0x8b: {  	s0 =	sand.u32 $0x1, s1  }
0x8c: {  	s17 =	sshll.u32 s0, $0xA;
	s2 =	sadd.s32 s3, s2  }
0x8d: {  	s2 =	sadd.s32 s2, s17  }
0x8e: {  	[smem:$0x3FC0] =	sst s2  }
0x8f: {  	_ = 	snop  }
0x90: {  	s2 =	sld [smem:$0x3FD0];
	(tm) =	ssettm $0x1  }
0x91: {  	s18 =	sld [smem:$0x3FFB];
	_ =	sdelay $0x3  }
0x92: {  	_ =	strace s18  }
0x93: {  	s3 =	sld [smem:$0x3FFC];
	_ =	sdelay $0x3  }
0x94: {  	_ =	strace s3  }
0x95: {  	s3 =	sld [smem:$0x3FFD];
	_ =	sdelay $0x3  }
0x96: {  	_ =	strace s3  }
0x97: {  	_ =	strace $0x8FFFFFFF  }
0x98: {  	s19 =	sld [smem:$0x3FDB];
	_ =	sdelay $0x1  }
0x99: {  	s4 =	simm.s32 $_scs_section_size  }
0x9a: {  	s5 =	simm.s32 $_size__tile_overlayer_lowered;
	s6 =	simm.s32 $_tile_overlayer_lowered  }
0x9b: {  	s22 =	simm.s32 $0x1BFF;
	s21 =	sshll.u32 s6, $0x1;
	s3 =	sadd.s32 s4, s19  }
0x9c: {  	s7 =	simm.s32 $0x0;
	s20 =	sshll.u32 s5, $0x1;
	s5 =	sadd.s32 s21, s3  }
0x9d: {  	[timem:s7], [sflag:s22] =	dma.local [hbm:s5], s20  }
0x9e: {  	_ =	swait.ge [sflag:s22], s20  }
0x9f: {  	s4 =	ssub.s32 $0x0, s20;
	[sflag:s22] =	ssyncset.done $0x0  }
0xa0: {  	[sflag:s22] =	ssyncadd.s32 s4;
	_ =	sdelay $0x1  }
0xa1: {  	s23 =	simm.s32 $0x1B8B  }
0xa2: {  	_ =	swait.ge [sflag:s23], $0x1  }
0xa3: {  	[sflag:s23] =	ssyncset.done $0x0  }
0xa4: {  	s25 =	simm.s32 $0x1B8E;
	s24 =	sld [smem:$0x3FFE];
	[sflag:s23] =	ssyncadd.s32 $0xFFFFFFFF  }
0xa5: {  	s26 =	simm.s32 $execute0_lowered;
	[smem:$0x3FD2] =	sst s25  }
0xa6: {  	s5 =	sshll.u32 s26, $0x1;
	_ =	strace $0x80000049;
	[dreg:$0x1] =	wrdreg $0xFFFFFFFF  }
0xa7: {  	s28 =	simm.s32 $_size_execute0_lowered;
	s3 =	sadd.s32 s3, s5;
	[dreg:$0x0] =	wrdreg $0x0  }
0xa8: {  	s5 =	sshll.u32 s28, $0x1;
	[dreg:$0x2] =	wrdreg s3  }
0xa9: {  	[dreg:$0x3] =	wrdreg s5  }
0xaa: {  	[dreg:$0x4] =	wrdreg $0xC0  }
0xab: {  	_ =	task [dreg:s7], $0x5FFFF  }
0xac: {  	[dreg:$0x1] =	wrdreg $0xFFFFFFFF  }
0xad: {  	[dreg:$0x0] =	wrdreg $0x60  }
0xae: {  	[dreg:$0x2] =	wrdreg s2  }
0xaf: {  	[dreg:$0x3] =	wrdreg s24  }
0xb0: {  	[dreg:$0x4] =	wrdreg $0x76200  }
0xb1: {  	[dreg:$0x5] =	wrdreg $0x9  }
0xb2: {  	_ =	task.clear_ibuf [dreg:s7], $0x6FFFF;
	_ =	strace $0x90000049  }
0xb3: {  	s29 =	simm.s32 $0x9;
	_ =	strace $0x8000004B  }
0xb4: {  	_ =	swait.ge [sflag:s29], $0x1  }
0xb5: {  	[sflag:s29] =	ssyncadd.s32 $0xFFFFFFFF  }
0xb6: {  	_ =	strace $0x9000004B  }
0xb7: {  	_ =	sfence  }
0xb8: {  	s30 =	sld [smem:$0x0];
	_ =	sdelay $0x2  }
0xb9: {  	s31 =	sshll.u32 s1, $0xD;
	s1 =	sshrl.u32 s1, $0x2  }
0xba: {  	s3 =	sand.u32 $0x4000, s31;
	s1 =	sadd.s32 s1, s30  }
0xbb: {  	s0 =	sor.u32 s3, s0;
	s1 =	sshll.u32 s1, $0x11  }
0xbc: {  	s0 =	sor.u32 s1, s0  }
0xbd: {  	s0 =	sadd.s32 $0x8F2B, s0  }
0xbe: {  	[sflag:s0] =	ssyncadd.remote.s32 $0x1  }
0xbf: {  	_ =	sfence.sel $0xFFFF  }
0xc0: {  	[dreg:$0x0] =	wrdreg $0xFFFFFFFF;
	(pc) =	sbr.abs _section_cstart, $3  }
0xc1: {  	[dreg:$0x1] =	wrdreg $0xFFFFFFFF  }
0xc2: {  	_ =	task.clear_ibuf [dreg:s7], $0x2FFFF;
	_ =	strace $0x9FFFFFFF  }
0xc3: {  	(tm) =	ssettm $0x7FFFFFFF  }
tec
execute0_lowered:
.L_overlay_start_1:
0x0: {  	(tag) =	ssettag $0x1  }
0x1: {  	s2 =	rddreg [dreg:$0x0]  }
0x2: {  	s1 =	srdreg.scid;
	s6 =	rddreg [dreg:$0x1]  }
0x3: {  	s0 =	stileid.u32;
	s3 =	rddreg [dreg:$0x2];
	s4 =	simm.s32 $0x0  }
0x4: {  	s17 =	simm.s32 $0x4E20;
	s18 =	simm.s32 $0x3;
	s19 =	simm.s32 $0x2710  }
0x5: {  	s20 =	simm.s32 $0x50;
	s21 =	simm.s32 $0x6220;
	s22 =	simm.s32 $0x1  }
0x6: {  	s23 =	simm.s32 $0x2;
	s24 =	simm.s32 $0x4DD0;
	s8 =	smul.u32 $0x9C40, s0  }
0x7: {  	s5 =	sand.u32 $0x1, s1;
	s28 =	sshll.u32 s0, $0x1;
	s10 =	smul.u32 $0x27100, s0  }
0x8: {  	[smem:$0x7FF] =	sst s4;
	s1 =	sor.u32 s5, s28;
	s9 =	smul.u32 $0x9C400, s5  }
0x9: {  	s5 =	ssub.s32 $0x2, s5;
	s7 =	smul.u32 $0x4E2, s1;
	s1 =	rddreg [dreg:$0x3]  }
0xa: {  	_ =	strace $0x8000004A;
	s30 =	sshrl.u32 s10, $0x2;
	s31 =	sshrl.u32 s5, $0x1  }
0xb: {  	s29 =	sadd.s32 s8, s9;
	s12 =	sadd.s32 s30, s3;
	s16 =	ssub.s32 s5, s31  }
0xc: {  	s5 =	sadd.s32 s8, s3;
	s14 =	sadd.s32 s7, s6;
	s7 =	sshrl.u32 s29, $0x3  }
0xd: {  	s8 =	sadd.s32 $0x3C00, s12;
	s9 =	sadd.s32 $0x5000, s12;
	s10 =	sadd.s32 $0x6400, s12  }
0xe: {  	s11 =	sadd.s32 $0x7800, s12;
	s16 =	smax.u32 s16, $0x1;
	s15 =	sadd.s32 s7, s6  }
0xf: {  	s6 =	sadd.s32 $0x1400, s12;
	s7 =	sadd.s32 $0x2800, s12;
	s12 =	sadd.s32 $0x8C00, s12  }
0x10: {  	v0 =	vimm.f32 $0.0e+00;
	s13 =	sadd.s32 $0xB800, s14;
	s14 =	sadd.s32 $0x1A00, s14;
	s15 =	sadd.s32 $0x15600, s15  }
.LBB2_1:
0x11: {  	s26 =	simm.s32 $0x100;
	s25 =	simm.s32 $0x0  }
.LBB2_2:
0x12: {  	p0 =	sne.s32 s26, $0x4F00;
	[tilespmem:s25+$0x4E50] =	vst v0;
	s28 =	smov.u32 s26;
	s26 =	sadd.s32 $0x100, s26  }
.Ltmp0:
0x13: {  	[tilespmem:s25+$0x4E40] =	vst v0;
	(pc) =	sbr.rel @p0 .LBB2_2-.Ltmp0, $3  }
0x14: {  	[tilespmem:s25+$0x4E20] =	vst v0  }
0x15: {  	[tilespmem:s25+$0x4E30] =	vst v0;
	_ =	sdelay $0x1  }
0x16: {  	s25 =	sshra.s32 s28, $0x2  }
0x17: {  	[tilespmem:s25+$0x4E50] =	vst v0  }
0x18: {  	[tilespmem:s25+$0x4E40] =	vst v0  }
0x19: {  	[tilespmem:s25+$0x4E20] =	vst v0  }
0x1a: {  	[tilespmem:s25+$0x4E30] =	vst v0  }
0x1b: {  	[spmem:s5] =	stream.linear.scatter [tilespmem:s17], [sflag:$0x3], $0x1400, $0x38;
	[tilespmem:$0x11260] =	vst v63  }
0x1c: {  	_ =	swait.ge [sflag:s18], $0x1400  }
0x1d: {  	[sflag:s18] =	ssyncset.done $0x0  }
0x1e: {  	[sflag:s18] =	ssyncadd.s32 $0xFFFFEC00  }
0x1f: {  	[spmem:s6] =	stream.linear.scatter [tilespmem:s17], [sflag:$0x3], $0x1400, $0x38;
	[tilespmem:$0x11260] =	vst v63  }
0x20: {  	_ =	swait.ge [sflag:s18], $0x1400  }
0x21: {  	[sflag:s18] =	ssyncset.done $0x0  }
0x22: {  	[sflag:s18] =	ssyncadd.s32 $0xFFFFEC00  }
0x23: {  	[spmem:s7] =	stream.linear.scatter [tilespmem:s17], [sflag:$0x3], $0x1400, $0x38;
	[tilespmem:$0x11260] =	vst v63  }
0x24: {  	_ =	swait.ge [sflag:s18], $0x1400  }
0x25: {  	[sflag:s18] =	ssyncset.done $0x0  }
0x26: {  	[sflag:s18] =	ssyncadd.s32 $0xFFFFEC00  }
0x27: {  	[spmem:s8] =	stream.linear.scatter [tilespmem:s17], [sflag:$0x3], $0x1400, $0x38;
	[tilespmem:$0x11260] =	vst v63  }
0x28: {  	_ =	swait.ge [sflag:s18], $0x1400  }
0x29: {  	[sflag:s18] =	ssyncset.done $0x0  }
0x2a: {  	[sflag:s18] =	ssyncadd.s32 $0xFFFFEC00  }
0x2b: {  	[spmem:s9] =	stream.linear.scatter [tilespmem:s17], [sflag:$0x3], $0x1400, $0x38;
	[tilespmem:$0x11260] =	vst v63  }
0x2c: {  	_ =	swait.ge [sflag:s18], $0x1400  }
0x2d: {  	[sflag:s18] =	ssyncset.done $0x0  }
0x2e: {  	[sflag:s18] =	ssyncadd.s32 $0xFFFFEC00  }
0x2f: {  	[spmem:s10] =	stream.linear.scatter [tilespmem:s17], [sflag:$0x3], $0x1400, $0x38;
	[tilespmem:$0x11260] =	vst v63  }
0x30: {  	_ =	swait.ge [sflag:s18], $0x1400  }
0x31: {  	[sflag:s18] =	ssyncset.done $0x0  }
0x32: {  	[sflag:s18] =	ssyncadd.s32 $0xFFFFEC00  }
0x33: {  	[spmem:s11] =	stream.linear.scatter [tilespmem:s17], [sflag:$0x3], $0x1400, $0x38;
	[tilespmem:$0x11260] =	vst v63  }
0x34: {  	_ =	swait.ge [sflag:s18], $0x1400  }
0x35: {  	[sflag:s18] =	ssyncset.done $0x0  }
0x36: {  	[sflag:s18] =	ssyncadd.s32 $0xFFFFEC00  }
0x37: {  	[spmem:s12] =	stream.linear.scatter [tilespmem:s17], [sflag:$0x3], $0x1040, $0x38;
	[tilespmem:$0x11260] =	vst v63  }
0x38: {  	_ =	swait.ge [sflag:s18], $0x1040  }
0x39: {  	[sflag:s18] =	ssyncset.done $0x0  }
0x3a: {  	s26 =	simm.s32 $0x0;
	[sflag:s18] =	ssyncadd.s32 $0xFFFFEFC0  }
0x3b: {  	[tilespmem:s26], [sflag:$0x3] =	stream.linear.gather [hbm4b:s13+s26], $0x2710, $0x38;
	[tilespmem:$0x11260] =	vst v63  }
0x3c: {  	_ =	swait.ge [sflag:s18], $0x2710  }
0x3d: {  	[sflag:s18] =	ssyncset.done $0x0  }
0x3e: {  	[sflag:s18] =	ssyncadd.s32 $0xFFFFD8F0  }
0x3f: {  	[tilespmem:s19], [sflag:$0x3] =	stream.linear.gather [hbm4b:s14+s26], $0x2710, $0x38;
	[tilespmem:$0x11260] =	vst v63  }
0x40: {  	_ =	swait.ge [sflag:s18], $0x2710  }
0x41: {  	[sflag:s18] =	ssyncset.done $0x0  }
0x42: {  	[sflag:s18] =	ssyncadd.s32 $0xFFFFD8F0  }
0x43: {  	[bflag:$0x0] =	sbarrier.arrive $0xFFFF  }
0x44: {  	[tilespmem:s17], [sflag:$0x1] =	stream.indirect.gather [hbm4b:s2+s20], $0x40, s26, s20, $0xb8;
	[tilespmem:$0x11260] =	vst v63  }
0x45: {  	s28 =	simm.s32 $0x50  }
0x46: {  	[tilespmem:s21], [sflag:$0x2] =	stream.indirect.gather [hbm4b:s2+s20], $0x40, s28, s20, $0xb8;
	[tilespmem:$0x11260] =	vst v63  }
0x47: {  	_ =	swait.ge [sflag:s22], $0x1400  }
0x48: {  	[sflag:s22] =	ssyncset.done $0x0  }
0x49: {  	s29 =	simm.s32 $0x2710;
	[sflag:s22] =	ssyncadd.s32 $0xFFFFEC00  }
0x4a: {  	[spmem:s3] =	stream.indirect.scatter.add.f32 [tilespmem:s17], [sflag:$0x3], $0x40, s29, s20, $0xb8;
	[tilespmem:$0x11260] =	vst v63  }
0x4b: {  	_ =	swait.ge [sflag:s18], $0x1400  }
0x4c: {  	[sflag:s18] =	ssyncset.done $0x0  }
0x4d: {  	s30 =	simm.s32 $0xA0;
	[sflag:s18] =	ssyncadd.s32 $0xFFFFEC00  }
0x4e: {  	[tilespmem:s17], [sflag:$0x1] =	stream.indirect.gather [hbm4b:s2+s20], $0x40, s30, s20, $0xb8;
	[tilespmem:$0x11260] =	vst v63  }
0x4f: {  	_ =	swait.ge [sflag:s23], $0x1400  }
0x50: {  	[sflag:s23] =	ssyncset.done $0x0  }
0x51: {  	s31 =	simm.s32 $0x2760;
	[sflag:s23] =	ssyncadd.s32 $0xFFFFEC00  }
0x52: {  	[spmem:s3] =	stream.indirect.scatter.add.f32 [tilespmem:s21], [sflag:$0x3], $0x40, s31, s20, $0xb8;
	[tilespmem:$0x11260] =	vst v63  }
0x53: {  	_ =	swait.ge [sflag:s18], $0x1400  }
0x54: {  	s25 =	simm.s32 $0xA0;
	s26 =	simm.s32 $0x500;
	[sflag:s18] =	ssyncset.done $0x0  }
.LBB2_4:
0x55: {  	s28 =	sadd.s32 $0x50, s25  }
0x56: {  	[sflag:s18] =	ssyncadd.s32 $0xFFFFEC00;
	s29 =	smov.u32 s26;
	s30 =	sadd.s32 $0x280, s26  }
0x57: {  	[tilespmem:s21], [sflag:$0x2] =	stream.indirect.gather [hbm4b:s2+s20], $0x40, s28, s20, $0xb8;
	[tilespmem:$0x11260] =	vst v63  }
0x58: {  	p0 =	sne.s32 s26, $0x9880;
	_ =	swait.ge [sflag:s22], $0x1400  }
0x59: {  	[sflag:s22] =	ssyncset.done $0x0  }
0x5a: {  	s26 =	sadd.s32 $0x2710, s25;
	[sflag:s22] =	ssyncadd.s32 $0xFFFFEC00  }
0x5b: {  	[spmem:s3] =	stream.indirect.scatter.add.f32 [tilespmem:s17], [sflag:$0x3], $0x40, s26, s20, $0xb8;
	[tilespmem:$0x11260] =	vst v63  }
0x5c: {  	_ =	swait.ge [sflag:s18], $0x1400  }
0x5d: {  	[sflag:s18] =	ssyncset.done $0x0  }
0x5e: {  	s26 =	sadd.s32 $0xA0, s25;
	[sflag:s18] =	ssyncadd.s32 $0xFFFFEC00  }
0x5f: {  	[tilespmem:s17], [sflag:$0x1] =	stream.indirect.gather [hbm4b:s2+s20], $0x40, s26, s20, $0xb8;
	[tilespmem:$0x11260] =	vst v63  }
0x60: {  	_ =	swait.ge [sflag:s23], $0x1400  }
.Ltmp1:
0x61: {  	[sflag:s23] =	ssyncset.done $0x0;
	(pc) =	sbr.rel @p0 .LBB2_4-.Ltmp1, $4  }
0x62: {  	s25 =	sadd.s32 $0x2760, s25;
	[sflag:s23] =	ssyncadd.s32 $0xFFFFEC00  }
0x63: {  	[spmem:s3] =	stream.indirect.scatter.add.f32 [tilespmem:s21], [sflag:$0x3], $0x40, s25, s20, $0xb8;
	[tilespmem:$0x11260] =	vst v63  }
0x64: {  	_ =	swait.ge [sflag:s18], $0x1400  }
0x65: {  	s26 =	smov.u32 s30;
	s25 =	sshra.s32 s29, $0x2;
	[sflag:s18] =	ssyncset.done $0x0  }
0x66: {  	s26 =	sadd.s32 $0x50, s25;
	[sflag:s18] =	ssyncadd.s32 $0xFFFFEC00  }
0x67: {  	[tilespmem:s21], [sflag:$0x2] =	stream.indirect.gather [hbm4b:s2+s20], $0x40, s26, s20, $0xb8;
	[tilespmem:$0x11260] =	vst v63  }
0x68: {  	_ =	swait.ge [sflag:s22], $0x1400  }
0x69: {  	[sflag:s22] =	ssyncset.done $0x0  }
0x6a: {  	s31 =	sadd.s32 $0x2710, s25;
	[sflag:s22] =	ssyncadd.s32 $0xFFFFEC00  }
0x6b: {  	[spmem:s3] =	stream.indirect.scatter.add.f32 [tilespmem:s17], [sflag:$0x3], $0x40, s31, s20, $0xb8;
	[tilespmem:$0x11260] =	vst v63  }
0x6c: {  	_ =	swait.ge [sflag:s18], $0x1400  }
0x6d: {  	[sflag:s18] =	ssyncset.done $0x0  }
0x6e: {  	s28 =	sadd.s32 $0xA0, s25;
	[sflag:s18] =	ssyncadd.s32 $0xFFFFEC00  }
0x6f: {  	[tilespmem:s17], [sflag:$0x1] =	stream.indirect.gather [hbm4b:s2+s20], $0x40, s28, s20, $0xb8;
	[tilespmem:$0x11260] =	vst v63  }
0x70: {  	_ =	swait.ge [sflag:s23], $0x1400  }
0x71: {  	[sflag:s23] =	ssyncset.done $0x0  }
0x72: {  	s29 =	sadd.s32 $0x2760, s25;
	[sflag:s23] =	ssyncadd.s32 $0xFFFFEC00  }
0x73: {  	[spmem:s3] =	stream.indirect.scatter.add.f32 [tilespmem:s21], [sflag:$0x3], $0x40, s29, s20, $0xb8;
	[tilespmem:$0x11260] =	vst v63  }
0x74: {  	_ =	swait.ge [sflag:s18], $0x1400  }
0x75: {  	[sflag:s18] =	ssyncset.done $0x0  }
0x76: {  	[sflag:s18] =	ssyncadd.s32 $0xFFFFEC00  }
0x77: {  	_ =	swait.ge [sflag:s22], $0x1400  }
0x78: {  	[sflag:s22] =	ssyncset.done $0x0  }
0x79: {  	[sflag:s22] =	ssyncadd.s32 $0xFFFFEC00  }
0x7a: {  	[spmem:s3] =	stream.indirect.scatter.add.f32 [tilespmem:s17], [sflag:$0x3], $0x40, s24, s20, $0xb8;
	[tilespmem:$0x11260] =	vst v63  }
0x7b: {  	_ =	swait.ge [sflag:s18], $0x1400  }
0x7c: {  	s30 =	sshll.u32 s0, $0x6;
	s4 =	sadd.s32 $0x1, s4;
	[sflag:s18] =	ssyncset.done $0x0  }
0x7d: {  	s25 =	sor.u32 $0x1C03, s30;
	p0 =	sne.s32 s4, s16;
	[sflag:s18] =	ssyncadd.s32 $0xFFFFEC00  }
.Ltmp2:
0x7e: {  	s31 =	sshrl.u32 s5, $0x3;
	[bflag:$0x0] =	sbarrier.arrive $0xFFFF;
	(pc) =	sbr.rel @p0 .LBB2_1-.Ltmp2, $4  }
0x7f: {  	[hbm:s15], [sflag:s25] =	dma.local [spmem:s31], $0x1388  }
0x80: {  	_ =	swait.ge [sflag:s18], $0x1388  }
0x81: {  	[sflag:s18] =	ssyncset.done $0x0  }
0x82: {  	[sflag:s18] =	ssyncadd.s32 $0xFFFFEC78  }
0x83: {  	_ =	sfence.sel $0x180000  }
0x84: {  	[bflag:$0x0] =	sbarrier.arrive $0xFFFF  }
0x85: {  	p0 =	sne.s32 s0, $0x0;
	_ =	strace $0x9000004A  }
0x86: {  	s0 =	sadd.s32 @!p0 $0x100000, s1;
	[bflag:$0x2] =	sbarrier.arrive $0xFFFF  }
0x87: {  	[sflag:s0] =	ssyncadd.tile.s32 @!p0 $0x1;
	_ =	shalt  }
.Lfunc_end2:
_tile_overlayer_lowered:
.L_overlay_start_2:
0x88: {  	(tag) =	ssettag $0x2  }
0x89: {  	s0 =	rddreg [dreg:$0x0];
	s2 =	stileid.u32  }
0x8a: {  	s1 =	rddreg [dreg:$0x1];
	p0 =	sne.s32 s2, $0x0  }
0x8b: {  	s3 =	rddreg [dreg:$0x2];
	[bflag:$0x3] =	sbarrier.arrive $0xFFFF;
	s2 =	simm.s32 @!p0 $0x1C03  }
0x8c: {  	[timem:s3], [sflag:s2] =	dma.local @!p0 [hbm:s0], s1  }
0x8d: {  	s0 =	simm.s32 @!p0 $0x3  }
0x8e: {  	_ =	swait.ge @!p0 [sflag:s0], s1  }
0x8f: {  	s1 =	ssub.s32 @!p0 $0x0, s1;
	[sflag:s0] =	ssyncset.done @!p0 $0x0  }
0x90: {  	[sflag:s0] =	ssyncadd.s32 @!p0 s1  }
0x91: {  	[bflag:$0x3] =	sbarrier.arrive $0xFFFF  }
0x92: {  	_ =	shalt  }

</sc_bundles>
